<compile_context>
chip_gen: v7x
topology: tpu7x:2x2x1
jax: 0.10.2.dev20260603
libtpu: 0.0.44.dev20260713+nightly
codegen_flags: <defaults>
</compile_context>

<pallas_src>
import functools

import jax
import jax.numpy as jnp
from jax.experimental import pallas as pl
from jax.experimental.pallas import tpu as pltpu

N = 10000
DF = 128
H = 8
HID = 16
G = 512
NB = 200
NBLK = N // NB
CE = 1024
NT = 2000


def _transform_kernel(h_ref, w_ref, as_ref, ad_ref, hnew_ref, asrc_ref, adst_ref):
    h = h_ref[...]
    hn = jnp.dot(h, w_ref[...], preferred_element_type=jnp.float32)
    hnew_ref[...] = hn
    asrc_ref[...] = jnp.dot(hn, as_ref[...], preferred_element_type=jnp.float32, precision=jax.lax.Precision.HIGHEST)
    adst_ref[...] = jnp.dot(hn, ad_ref[...], preferred_element_type=jnp.float32, precision=jax.lax.Precision.HIGHEST)


def _edge_kernel(off_ref, hsrc_hbm, asrce_hbm, dst_hbm, adst_ref, c_ref, b_ref,
                 r_ref, out_ref, h_scr, a_scr, d_scr, sem_h, sem_a, sem_d):
    n = pl.program_id(0)
    start = off_ref[n]
    end = off_ref[n + 1]
    nchunks = (end - start + CE - 1) // CE
    adst_blk = adst_ref[...]
    c = c_ref[...]
    r = r_ref[...]
    base = n * NB
    iota = jax.lax.broadcasted_iota(jnp.int32, (CE, NB), 1)

    def body(k, carry):
        s_acc, den_acc = carry
        s0 = start + k * CE
        cp_h = pltpu.make_async_copy(hsrc_hbm.at[pl.ds(s0, CE), :], h_scr, sem_h)
        cp_a = pltpu.make_async_copy(asrce_hbm.at[pl.ds(s0, CE), :], a_scr, sem_a)
        cp_d = pltpu.make_async_copy(dst_hbm.at[pl.ds(s0, CE), :], d_scr, sem_d)
        cp_h.start()
        cp_a.start()
        cp_d.start()
        cp_h.wait()
        cp_a.wait()
        cp_d.wait()
        local = d_scr[...] - base
        oh = (iota == local).astype(jnp.float32)
        adst_e = jnp.dot(oh, adst_blk, preferred_element_type=jnp.float32, precision=jax.lax.Precision.HIGHEST)
        in_blk = (local >= 0) & (local < NB)
        alpha = a_scr[...] + adst_e
        alpha = jnp.where(alpha >= 0, alpha, 0.2 * alpha)
        ea = jnp.where(in_blk, jnp.exp(alpha - c), 0.0)
        ea_rep = jnp.dot(ea, r, preferred_element_type=jnp.float32, precision=jax.lax.Precision.HIGHEST)
        msg = h_scr[...] * ea_rep
        s_acc = s_acc + jax.lax.dot_general(
            oh, msg, (((0,), (0,)), ((), ())), preferred_element_type=jnp.float32, precision=jax.lax.Precision.HIGHEST)
        den_acc = den_acc + jax.lax.dot_general(
            oh, ea, (((0,), (0,)), ((), ())), preferred_element_type=jnp.float32, precision=jax.lax.Precision.HIGHEST)
        return s_acc, den_acc

    s0 = jnp.zeros((NB, DF), jnp.float32)
    d0 = jnp.zeros((NB, H), jnp.float32)
    s_sum, den = jax.lax.fori_loop(0, nchunks, body, (s0, d0))
    den_rep = jnp.dot(jnp.maximum(den, 1e-16), r_ref[...],
                      preferred_element_type=jnp.float32, precision=jax.lax.Precision.HIGHEST)
    out = s_sum / den_rep + b_ref[...]
    out_ref[...] = jnp.where(out > 0, out, jnp.exp(jnp.minimum(out, 0.0)) - 1.0)


def _pool_kernel(h_ref, bv_ref, linw_ref, linb_ref, out_ref, s_scr, c_scr):
    i = pl.program_id(0)

    @pl.when(i == 0)
    def _():
        s_scr[...] = jnp.zeros_like(s_scr)
        c_scr[...] = jnp.zeros_like(c_scr)

    iota = jax.lax.broadcasted_iota(jnp.int32, (NT, G), 1)
    oh = (iota == bv_ref[...]).astype(jnp.float32)
    s_scr[...] += jax.lax.dot_general(
        oh, h_ref[...], (((0,), (0,)), ((), ())), preferred_element_type=jnp.float32, precision=jax.lax.Precision.HIGHEST)
    c_scr[...] += jax.lax.dot_general(
        oh, jnp.ones((NT, 1), jnp.float32), (((0,), (0,)), ((), ())),
        preferred_element_type=jnp.float32, precision=jax.lax.Precision.HIGHEST)

    @pl.when(i == pl.num_programs(0) - 1)
    def _():
        mean = s_scr[...] / jnp.maximum(c_scr[...], 1.0)
        out_ref[...] = jnp.dot(mean, linw_ref[...],
                               preferred_element_type=jnp.float32, precision=jax.lax.Precision.HIGHEST) + linb_ref[...]


def _block_diag_attn(a):
    rows = jnp.arange(H * HID)
    cols = rows // HID
    return jnp.zeros((H * HID, H), jnp.float32).at[rows, cols].set(a.reshape(-1))


_transform = pl.pallas_call(
    _transform_kernel,
    grid=(N // NT,),
    in_specs=[
        pl.BlockSpec((NT, DF), lambda i: (i, 0)),
        pl.BlockSpec((DF, DF), lambda i: (0, 0)),
        pl.BlockSpec((DF, H), lambda i: (0, 0)),
        pl.BlockSpec((DF, H), lambda i: (0, 0)),
    ],
    out_specs=[
        pl.BlockSpec((NT, DF), lambda i: (i, 0)),
        pl.BlockSpec((NT, H), lambda i: (i, 0)),
        pl.BlockSpec((NT, H), lambda i: (i, 0)),
    ],
    out_shape=[
        jax.ShapeDtypeStruct((N, DF), jnp.float32),
        jax.ShapeDtypeStruct((N, H), jnp.float32),
        jax.ShapeDtypeStruct((N, H), jnp.float32),
    ],
)

_edge_call = pl.pallas_call(
    _edge_kernel,
    grid_spec=pltpu.PrefetchScalarGridSpec(
        num_scalar_prefetch=1,
        grid=(NBLK,),
        in_specs=[
            pl.BlockSpec(memory_space=pltpu.MemorySpace.HBM),
            pl.BlockSpec(memory_space=pltpu.MemorySpace.HBM),
            pl.BlockSpec(memory_space=pltpu.MemorySpace.HBM),
            pl.BlockSpec((NB, H), lambda n, off: (n, 0)),
            pl.BlockSpec((1, H), lambda n, off: (0, 0)),
            pl.BlockSpec((1, DF), lambda n, off: (0, 0)),
            pl.BlockSpec((H, DF), lambda n, off: (0, 0)),
        ],
        out_specs=pl.BlockSpec((NB, DF), lambda n, off: (n, 0)),
        scratch_shapes=[
            pltpu.VMEM((CE, DF), jnp.float32),
            pltpu.VMEM((CE, H), jnp.float32),
            pltpu.VMEM((CE, 1), jnp.int32),
            pltpu.SemaphoreType.DMA,
            pltpu.SemaphoreType.DMA,
            pltpu.SemaphoreType.DMA,
        ],
    ),
    out_shape=jax.ShapeDtypeStruct((N, DF), jnp.float32),
)

_pool_call = pl.pallas_call(
    _pool_kernel,
    grid=(N // NT,),
    in_specs=[
        pl.BlockSpec((NT, DF), lambda i: (i, 0)),
        pl.BlockSpec((NT, 1), lambda i: (i, 0)),
        pl.BlockSpec((DF, 1), lambda i: (0, 0)),
        pl.BlockSpec((1, 1), lambda i: (0, 0)),
    ],
    out_specs=pl.BlockSpec((G, 1), lambda i: (0, 0)),
    out_shape=jax.ShapeDtypeStruct((G, 1), jnp.float32),
    scratch_shapes=[
        pltpu.VMEM((G, DF), jnp.float32),
        pltpu.VMEM((G, 1), jnp.float32),
    ],
)


@functools.partial(jax.jit)
def kernel(x, edge_index, batch_vector, W0, as0, ad0, b0, W1, as1, ad1, b1,
           W2, as2, ad2, b2, lin_W, lin_b):
    loops = jnp.arange(N, dtype=edge_index.dtype)
    src = jnp.concatenate([edge_index[0], loops])
    dst = jnp.concatenate([edge_index[1], loops])
    ee = src.shape[0]
    ep = ((ee + CE - 1) // CE + 1) * CE
    perm = jnp.argsort(dst)
    dst_s = dst[perm]
    src_s = src[perm]
    dst_p = jnp.concatenate([dst_s, jnp.full((ep - ee,), N, jnp.int32)])
    src_p = jnp.concatenate([src_s, jnp.zeros((ep - ee,), jnp.int32)])
    off = jnp.searchsorted(dst_p, jnp.arange(0, N + 1, NB)).astype(jnp.int32)
    dst2d = dst_p.reshape(ep, 1)

    rrows = jnp.arange(DF)
    rmat = jnp.zeros((H, DF), jnp.float32).at[rrows // HID, rrows].set(1.0)

    h = x
    for W, a_s, a_d, b in ((W0, as0, ad0, b0), (W1, as1, ad1, b1),
                           (W2, as2, ad2, b2)):
        hn, asrc, adst = _transform(h, W, _block_diag_attn(a_s),
                                    _block_diag_attn(a_d))
        cmax = jnp.max(asrc, axis=0) + jnp.max(adst, axis=0)
        cmax = jnp.where(cmax >= 0, cmax, 0.2 * cmax).reshape(1, H)
        asrc_e = jnp.take(asrc, src_p, axis=0)
        hsrc_e = jnp.take(hn, src_p, axis=0)
        h = _edge_call(off, hsrc_e, asrc_e, dst2d, adst, cmax,
                       b.reshape(1, DF), rmat)

    return _pool_call(h, batch_vector.reshape(N, 1), lin_W,
                      lin_b.reshape(1, 1))

# --- scband reference (transcript-rebuilt; emitter-appended) ---
"""Pipeline reference for scband-gat-zinc-29411936043507 (READ-ONLY COPY).

The authoritative reference and input builder live on the scoring server;
editing this copy changes nothing except your own understanding.
"""

import jax, jax.numpy as jnp
import numpy as np

N = 10000
E = 320000
DF = 128
H = 8
HID = 16
G = 512

def setup_inputs(seed: int = 0):
    key = jax.random.key(seed)
    ks = jax.random.split(key, 24)
    inp = {}
    inp["x"] = jax.random.normal(ks[0], (N, DF), dtype=jnp.float32)
    inp["edge_index"] = jax.random.randint(ks[1], (2, E), 0, N, dtype=jnp.int32)
    inp["batch_vector"] = jnp.sort(jax.random.randint(ks[2], (N,), 0, G, dtype=jnp.int32))
    dims = [DF, H * HID, H * HID]
    for i in range(3):
        fan = dims[i]
        inp["W%d" % i] = jax.random.normal(ks[3 + 4 * i], (fan, H * HID), dtype=jnp.float32) * (1.0 / np.sqrt(fan))
        inp["as%d" % i] = jax.random.normal(ks[4 + 4 * i], (H, HID), dtype=jnp.float32) * 0.1
        inp["ad%d" % i] = jax.random.normal(ks[5 + 4 * i], (H, HID), dtype=jnp.float32) * 0.1
        inp["b%d" % i] = jnp.zeros((H * HID,), dtype=jnp.float32)
    inp["lin_W"] = jax.random.normal(ks[15], (H * HID, 1), dtype=jnp.float32) * (1.0 / np.sqrt(H * HID))
    inp["lin_b"] = jnp.zeros((1,), dtype=jnp.float32)
    return inp

def _gat_layer(x, W, a_s, a_d, b, src, dst):
    h = (x @ W).reshape(-1, H, HID)
    alpha_src = (h * a_s[None, :, :]).sum(-1)
    alpha_dst = (h * a_d[None, :, :]).sum(-1)
    alpha = alpha_src[src] + alpha_dst[dst]
    alpha = jax.nn.leaky_relu(alpha, 0.2)
    m = jax.lax.stop_gradient(jax.ops.segment_max(alpha, dst, num_segments=N))
    ea = jnp.exp(alpha - m[dst])
    denom = jax.ops.segment_sum(ea, dst, num_segments=N)
    attn = ea / jnp.maximum(denom[dst], 1e-16)
    msg = h[src] * attn[:, :, None]
    out = jax.ops.segment_sum(msg, dst, num_segments=N)
    return out.reshape(-1, H * HID) + b

def reference(x, edge_index, batch_vector, W0, as0, ad0, b0, W1, as1, ad1, b1, W2, as2, ad2, b2, lin_W, lin_b):
    loops = jnp.arange(N, dtype=edge_index.dtype)
    src = jnp.concatenate([edge_index[0], loops])
    dst = jnp.concatenate([edge_index[1], loops])
    h = x
    params = [(W0, as0, ad0, b0), (W1, as1, ad1, b1), (W2, as2, ad2, b2)]
    for (W, a_s, a_d, b) in params:
        h = _gat_layer(h, W, a_s, a_d, b, src, dst)
        h = jax.nn.elu(h)
        # dropout is identity in eval mode
    sums = jax.ops.segment_sum(h, batch_vector, num_segments=G)
    cnt = jax.ops.segment_sum(jnp.ones((N,), dtype=jnp.float32), batch_vector, num_segments=G)
    mean = sums / jnp.maximum(cnt, 1.0)[:, None]
    return mean @ lin_W + lin_b

if __name__ == "__main__":
    import jax
    _d = setup_inputs()
    print(jax.jit(kernel)(*tuple(_d.values())))

</pallas_src>

<mosaic_0001>
module attributes {stable_mosaic.version = 14 : i64} {
  func.func @_transform_kernel(%arg0: i32, %arg1: memref<2000x128xf32, #tpu.memory_space<vmem>>, %arg2: memref<128x128xf32, #tpu.memory_space<vmem>>, %arg3: memref<128x8xf32, #tpu.memory_space<vmem>>, %arg4: memref<128x8xf32, #tpu.memory_space<vmem>>, %arg5: memref<2000x128xf32, #tpu.memory_space<vmem>>, %arg6: memref<2000x8xf32, #tpu.memory_space<vmem>>, %arg7: memref<2000x8xf32, #tpu.memory_space<vmem>>) attributes {dimension_semantics = [#tpu.dimension_semantics<arbitrary>], iteration_bounds = array<i64: 5>, scalar_prefetch = 0 : i64, scratch_operands = 0 : i64, tpu.core_type = #tpu.core_type<tc>, window_params = [{transform_indices = @transform_0, window_bounds = array<i64: 2000, 128>}, {pipeline_mode = #tpu.pipeline_mode<synchronous>, transform_indices = @transform_1, window_bounds = array<i64: 128, 128>}, {pipeline_mode = #tpu.pipeline_mode<synchronous>, transform_indices = @transform_2, window_bounds = array<i64: 128, 8>}, {pipeline_mode = #tpu.pipeline_mode<synchronous>, transform_indices = @transform_3, window_bounds = array<i64: 128, 8>}, {transform_indices = @transform_4, window_bounds = array<i64: 2000, 128>}, {transform_indices = @transform_5, window_bounds = array<i64: 2000, 8>}, {transform_indices = @transform_6, window_bounds = array<i64: 2000, 8>}]} {
    %get3A = arith.constant 0 : index
    %get3A_0 = arith.constant 0 : index
    %get3A_1 = vector.load %arg1[%get3A, %get3A_0] : memref<2000x128xf32, #tpu.memory_space<vmem>>, vector<2000x128xf32>
    %get3A_2 = arith.constant 0 : index
    %get3A_3 = arith.constant 0 : index
    %get3A_4 = vector.load %arg2[%get3A_2, %get3A_3] : memref<128x128xf32, #tpu.memory_space<vmem>>, vector<128x128xf32>
    %dot_general3A = arith.constant dense<0.000000e+00> : vector<2000x128xf32>
    %dot_general3A_5 = tpu.matmul %get3A_1, %get3A_4, %dot_general3A {dimension_numbers = #tpu.dot_dimension_numbers<[1], [0], [0], [1], [0, 0, 1, 1], [], []>, transpose_lhs_hint = false} : vector<2000x128xf32>, vector<128x128xf32>, vector<2000x128xf32> -> vector<2000x128xf32>
    %swap3A = arith.constant 0 : index
    %swap3A_6 = arith.constant 0 : index
    %swap3A_7 = vector.load %arg5[%swap3A, %swap3A_6] : memref<2000x128xf32, #tpu.memory_space<vmem>>, vector<2000x128xf32>
    tpu.vector_store %arg5[%swap3A, %swap3A_6], %dot_general3A_5 {strides = array<i32>} : memref<2000x128xf32, #tpu.memory_space<vmem>>, vector<2000x128xf32>,
    %get3A_8 = arith.constant 0 : index
    %get3A_9 = arith.constant 0 : index
    %get3A_10 = vector.load %arg3[%get3A_8, %get3A_9] : memref<128x8xf32, #tpu.memory_space<vmem>>, vector<128x8xf32>
    %dot_general3A_11 = arith.constant dense<0.000000e+00> : vector<2000x8xf32>
    %dot_general3A_12 = tpu.matmul %dot_general3A_5, %get3A_10, %dot_general3A_11 {dimension_numbers = #tpu.dot_dimension_numbers<[1], [0], [0], [1], [0, 0, 1, 1], [], []>, precision = #tpu.contract_precision<fp32>, transpose_lhs_hint = false} : vector<2000x128xf32>, vector<128x8xf32>, vector<2000x8xf32> -> vector<2000x8xf32>
    %swap3A_13 = arith.constant 0 : index
    %swap3A_14 = arith.constant 0 : index
    %swap3A_15 = vector.load %arg6[%swap3A_13, %swap3A_14] : memref<2000x8xf32, #tpu.memory_space<vmem>>, vector<2000x8xf32>
    tpu.vector_store %arg6[%swap3A_13, %swap3A_14], %dot_general3A_12 {strides = array<i32>} : memref<2000x8xf32, #tpu.memory_space<vmem>>, vector<2000x8xf32>,
    %get3A_16 = arith.constant 0 : index
    %get3A_17 = arith.constant 0 : index
    %get3A_18 = vector.load %arg4[%get3A_16, %get3A_17] : memref<128x8xf32, #tpu.memory_space<vmem>>, vector<128x8xf32>
    %dot_general3A_19 = arith.constant dense<0.000000e+00> : vector<2000x8xf32>
    %dot_general3A_20 = tpu.matmul %dot_general3A_5, %get3A_18, %dot_general3A_19 {dimension_numbers = #tpu.dot_dimension_numbers<[1], [0], [0], [1], [0, 0, 1, 1], [], []>, precision = #tpu.contract_precision<fp32>, transpose_lhs_hint = false} : vector<2000x128xf32>, vector<128x8xf32>, vector<2000x8xf32> -> vector<2000x8xf32>
    %swap3A_21 = arith.constant 0 : index
    %swap3A_22 = arith.constant 0 : index
    %swap3A_23 = vector.load %arg7[%swap3A_21, %swap3A_22] : memref<2000x8xf32, #tpu.memory_space<vmem>>, vector<2000x8xf32>
    tpu.vector_store %arg7[%swap3A_21, %swap3A_22], %dot_general3A_20 {strides = array<i32>} : memref<2000x8xf32, #tpu.memory_space<vmem>>, vector<2000x8xf32>,
    return
  }
  func.func @transform_0(%arg0: i32) -> (i32, i32) {
    %c0_i32 = arith.constant 0 : i32
    %c0_i32_0 = arith.constant 0 : i32
    return %arg0, %c0_i32 : i32, i32
  }
  func.func @transform_1(%arg0: i32) -> (i32, i32) {
    %c0_i32 = arith.constant 0 : i32
    %c0_i32_0 = arith.constant 0 : i32
    %c0_i32_1 = arith.constant 0 : i32
    return %c0_i32, %c0_i32_0 : i32, i32
  }
  func.func @transform_2(%arg0: i32) -> (i32, i32) {
    %c0_i32 = arith.constant 0 : i32
    %c0_i32_0 = arith.constant 0 : i32
    %c0_i32_1 = arith.constant 0 : i32
    return %c0_i32, %c0_i32_0 : i32, i32
  }
  func.func @transform_3(%arg0: i32) -> (i32, i32) {
    %c0_i32 = arith.constant 0 : i32
    %c0_i32_0 = arith.constant 0 : i32
    %c0_i32_1 = arith.constant 0 : i32
    return %c0_i32, %c0_i32_0 : i32, i32
  }
  func.func @transform_4(%arg0: i32) -> (i32, i32) {
    %c0_i32 = arith.constant 0 : i32
    %c0_i32_0 = arith.constant 0 : i32
    return %arg0, %c0_i32 : i32, i32
  }
  func.func @transform_5(%arg0: i32) -> (i32, i32) {
    %c0_i32 = arith.constant 0 : i32
    %c0_i32_0 = arith.constant 0 : i32
    return %arg0, %c0_i32 : i32, i32
  }
  func.func @transform_6(%arg0: i32) -> (i32, i32) {
    %c0_i32 = arith.constant 0 : i32
    %c0_i32_0 = arith.constant 0 : i32
    return %arg0, %c0_i32 : i32, i32
  }
}

module attributes {stable_mosaic.version = 14 : i64} {
  func.func @_edge_kernel(%arg0: i32, %arg1: memref<51xi32, #tpu.memory_space<smem>>, %arg2: memref<331776x128xf32, #tpu.memory_space<hbm>>, %arg3: memref<331776x8xf32, #tpu.memory_space<hbm>>, %arg4: memref<331776x1xi32, #tpu.memory_space<hbm>>, %arg5: memref<200x8xf32, #tpu.memory_space<vmem>>, %arg6: memref<1x8xf32, #tpu.memory_space<vmem>>, %arg7: memref<1x128xf32, #tpu.memory_space<vmem>>, %arg8: memref<8x128xf32, #tpu.memory_space<vmem>>, %arg9: memref<200x128xf32, #tpu.memory_space<vmem>>, %arg10: memref<1024x128xf32, #tpu.memory_space<vmem>>, %arg11: memref<1024x8xf32, #tpu.memory_space<vmem>>, %arg12: memref<1024x1xi32, #tpu.memory_space<vmem>>, %arg13: memref<!tpu.dma_semaphore, #tpu.memory_space<semaphore_mem>>, %arg14: memref<!tpu.dma_semaphore, #tpu.memory_space<semaphore_mem>>, %arg15: memref<!tpu.dma_semaphore, #tpu.memory_space<semaphore_mem>>) attributes {dimension_semantics = [#tpu.dimension_semantics<arbitrary>], iteration_bounds = array<i64: 50>, scalar_prefetch = 1 : i64, scratch_operands = 6 : i64, tpu.core_type = #tpu.core_type<tc>, window_params = [{}, {}, {}, {transform_indices = @transform_3, window_bounds = array<i64: 200, 8>}, {pipeline_mode = #tpu.pipeline_mode<synchronous>, transform_indices = @transform_4, window_bounds = array<i64: 1, 8>}, {pipeline_mode = #tpu.pipeline_mode<synchronous>, transform_indices = @transform_5, window_bounds = array<i64: 1, 128>}, {pipeline_mode = #tpu.pipeline_mode<synchronous>, transform_indices = @transform_6, window_bounds = array<i64: 8, 128>}, {transform_indices = @transform_7, window_bounds = array<i64: 200, 128>}]} {
    %get3A = arith.index_cast %arg0 : i32 to index
    %get3A_0 = memref.load %arg1[%get3A] : memref<51xi32, #tpu.memory_space<smem>>
    %add3A = arith.constant 1 : i32
    %add3A_1 = arith.addi %arg0, %add3A : i32
    %get3A_2 = arith.index_cast %add3A_1 : i32 to index
    %get3A_3 = memref.load %arg1[%get3A_2] : memref<51xi32, #tpu.memory_space<smem>>
    %sub3A = arith.subi %get3A_3, %get3A_0 : i32
    %add3A_4 = arith.constant 1024 : i32
    %add3A_5 = arith.addi %sub3A, %add3A_4 : i32
    %sub3A_6 = arith.constant 1 : i32
    %sub3A_7 = arith.subi %add3A_5, %sub3A_6 : i32
    %jit3A = arith.constant 1024 : i32
    %div3A = arith.divsi %sub3A_7, %jit3A : i32
    %sign3A = arith.constant 0 : i32
    %sign3A_8 = arith.cmpi sgt, %sub3A_7, %sign3A : i32
    %sign3A_9 = arith.extui %sign3A_8 : i1 to i32
    %sign3A_10 = arith.constant 0 : i32
    %sign3A_11 = arith.cmpi slt, %sub3A_7, %sign3A_10 : i32
    %sign3A_12 = arith.extui %sign3A_11 : i1 to i32
    %sign3A_13 = arith.subi %sign3A_9, %sign3A_12 : i32
    %sign3A_14 = arith.constant 0 : i32
    %sign3A_15 = arith.cmpi sgt, %jit3A, %sign3A_14 : i32
    %sign3A_16 = arith.extui %sign3A_15 : i1 to i32
    %sign3A_17 = arith.constant 0 : i32
    %sign3A_18 = arith.cmpi slt, %jit3A, %sign3A_17 : i32
    %sign3A_19 = arith.extui %sign3A_18 : i1 to i32
    %sign3A_20 = arith.subi %sign3A_16, %sign3A_19 : i32
    %ne3A = arith.cmpi ne, %sign3A_13, %sign3A_20 : i32
    %rem3A = arith.remsi %sub3A_7, %jit3A : i32
    %ne3A_21 = arith.constant 0 : i32
    %ne3A_22 = arith.cmpi ne, %rem3A, %ne3A_21 : i32
    %and3A = arith.andi %ne3A, %ne3A_22 : i1
    %sub3A_23 = arith.constant 1 : i32
    %sub3A_24 = arith.subi %div3A, %sub3A_23 : i32
    %select_n3A = arith.select %and3A, %sub3A_24, %div3A : i32
    %get3A_25 = arith.constant 0 : index
    %get3A_26 = arith.constant 0 : index
    %get3A_27 = vector.load %arg5[%get3A_25, %get3A_26] : memref<200x8xf32, #tpu.memory_space<vmem>>, vector<200x8xf32>
    %get3A_28 = arith.constant 0 : index
    %get3A_29 = arith.constant 0 : index
    %get3A_30 = vector.load %arg6[%get3A_28, %get3A_29] : memref<1x8xf32, #tpu.memory_space<vmem>>, vector<1x8xf32>
    %get3A_31 = arith.constant 0 : index
    %get3A_32 = arith.constant 0 : index
    %get3A_33 = vector.load %arg8[%get3A_31, %get3A_32] : memref<8x128xf32, #tpu.memory_space<vmem>>, vector<8x128xf32>
    %mul3A = arith.constant 200 : i32
    %mul3A_34 = arith.muli %arg0, %mul3A : i32
    %iota3A = tpu.iota {dimensions = array<i32: 1>} : vector<1024x200xi32>
    %broadcast_in_dim3A = arith.constant 0.000000e+00 : f32
    %broadcast_in_dim3A_35 = vector.broadcast %broadcast_in_dim3A : f32 to vector<200x128xf32>
    %broadcast_in_dim3A_36 = arith.constant 0.000000e+00 : f32
    %broadcast_in_dim3A_37 = vector.broadcast %broadcast_in_dim3A_36 : f32 to vector<200x8xf32>
    %while3A = arith.constant 0 : i32
    %while3A_38 = arith.subi %select_n3A, %while3A : i32
    %while3A_39 = arith.addi %while3A, %while3A_38 : i32
    %while3A_40 = arith.constant 1 : i32
    %while3A_41 = arith.divsi %while3A_38, %while3A_40 : i32
    %while3A_42 = arith.muli %while3A_41, %while3A_40 : i32
    %while3A_43 = arith.addi %while3A, %while3A_42 : i32
    %while3A_44 = arith.constant 1 : i32
    %while3A_45:2 = scf.for %while3A_70 = %while3A to %while3A_43 step %while3A_44 iter_args(%while3A_71 = %broadcast_in_dim3A_35, %while3A_72 = %broadcast_in_dim3A_37) -> (vector<200x128xf32>, vector<200x8xf32>)  : i32 {
      %mul3A_73 = arith.constant 1024 : i32
      %mul3A_74 = arith.muli %while3A_70, %mul3A_73 : i32
      %add3A_75 = arith.addi %get3A_0, %mul3A_74 : i32
      %dma_start3A = arith.constant 0 : i32
      %dma_start3A_76 = tpu.memref_slice %arg2[%add3A_75, %dma_start3A] : memref<331776x128xf32, #tpu.memory_space<hbm>> -> memref<1024x128xf32, #tpu.memory_space<hbm>>
      tpu.enqueue_dma source(%dma_start3A_76 : memref<1024x128xf32, #tpu.memory_space<hbm>>) target(%arg10 : memref<1024x128xf32, #tpu.memory_space<vmem>>) target_semaphore(%arg13 : memref<!tpu.dma_semaphore, #tpu.memory_space<semaphore_mem>>)
      %dma_start3A_77 = arith.constant 0 : i32
      %dma_start3A_78 = tpu.memref_slice %arg3[%add3A_75, %dma_start3A_77] : memref<331776x8xf32, #tpu.memory_space<hbm>> -> memref<1024x8xf32, #tpu.memory_space<hbm>>
      tpu.enqueue_dma source(%dma_start3A_78 : memref<1024x8xf32, #tpu.memory_space<hbm>>) target(%arg11 : memref<1024x8xf32, #tpu.memory_space<vmem>>) target_semaphore(%arg14 : memref<!tpu.dma_semaphore, #tpu.memory_space<semaphore_mem>>)
      %dma_start3A_79 = arith.constant 0 : i32
      %dma_start3A_80 = tpu.memref_slice %arg4[%add3A_75, %dma_start3A_79] : memref<331776x1xi32, #tpu.memory_space<hbm>> -> memref<1024x1xi32, #tpu.memory_space<hbm>>
      tpu.enqueue_dma source(%dma_start3A_80 : memref<1024x1xi32, #tpu.memory_space<hbm>>) target(%arg12 : memref<1024x1xi32, #tpu.memory_space<vmem>>) target_semaphore(%arg15 : memref<!tpu.dma_semaphore, #tpu.memory_space<semaphore_mem>>)
      %dma_wait3A = arith.constant 0 : i32
      %dma_wait3A_81 = tpu.memref_slice %arg2[%add3A_75, %dma_wait3A] : memref<331776x128xf32, #tpu.memory_space<hbm>> -> memref<1024x128xf32, #tpu.memory_space<hbm>>
      tpu.wait_dma2 semaphore(%arg13 : memref<!tpu.dma_semaphore, #tpu.memory_space<semaphore_mem>>) src(%dma_wait3A_81 : memref<1024x128xf32, #tpu.memory_space<hbm>>) dst(%arg10 : memref<1024x128xf32, #tpu.memory_space<vmem>>)
      %dma_wait3A_82 = arith.constant 0 : i32
      %dma_wait3A_83 = tpu.memref_slice %arg3[%add3A_75, %dma_wait3A_82] : memref<331776x8xf32, #tpu.memory_space<hbm>> -> memref<1024x8xf32, #tpu.memory_space<hbm>>
      tpu.wait_dma2 semaphore(%arg14 : memref<!tpu.dma_semaphore, #tpu.memory_space<semaphore_mem>>) src(%dma_wait3A_83 : memref<1024x8xf32, #tpu.memory_space<hbm>>) dst(%arg11 : memref<1024x8xf32, #tpu.memory_space<vmem>>)
      %dma_wait3A_84 = arith.constant 0 : i32
      %dma_wait3A_85 = tpu.memref_slice %arg4[%add3A_75, %dma_wait3A_84] : memref<331776x1xi32, #tpu.memory_space<hbm>> -> memref<1024x1xi32, #tpu.memory_space<hbm>>
      tpu.wait_dma2 semaphore(%arg15 : memref<!tpu.dma_semaphore, #tpu.memory_space<semaphore_mem>>) src(%dma_wait3A_85 : memref<1024x1xi32, #tpu.memory_space<hbm>>) dst(%arg12 : memref<1024x1xi32, #tpu.memory_space<vmem>>)
      %get3A_86 = arith.constant 0 : index
      %get3A_87 = arith.constant 0 : index
      %get3A_88 = vector.load %arg12[%get3A_86, %get3A_87] : memref<1024x1xi32, #tpu.memory_space<vmem>>, vector<1024x1xi32>
      %sub3A_89 = vector.broadcast %mul3A_34 : i32 to vector<1024x1xi32>
      %sub3A_90 = arith.subi %get3A_88, %sub3A_89 : vector<1024x1xi32>
      %eq3A = vector.broadcast %sub3A_90 : vector<1024x1xi32> to vector<1024x200xi32>
      %eq3A_91 = arith.cmpi eq, %iota3A, %eq3A : vector<1024x200xi32>
      %convert_element_type3A = arith.extui %eq3A_91 : vector<1024x200xi1> to vector<1024x200xi32>
      %convert_element_type3A_92 = arith.sitofp %convert_element_type3A : vector<1024x200xi32> to vector<1024x200xf32>
      %dot_general3A_93 = arith.constant dense<0.000000e+00> : vector<1024x8xf32>
      %dot_general3A_94 = tpu.matmul %convert_element_type3A_92, %get3A_27, %dot_general3A_93 {dimension_numbers = #tpu.dot_dimension_numbers<[1], [0], [0], [1], [0, 0, 1, 1], [], []>, precision = #tpu.contract_precision<fp32>, transpose_lhs_hint = false} : vector<1024x200xf32>, vector<200x8xf32>, vector<1024x8xf32> -> vector<1024x8xf32>
      %ge3A = arith.constant 0 : i32
      %ge3A_95 = vector.broadcast %ge3A : i32 to vector<1024x1xi32>
      %ge3A_96 = arith.cmpi sge, %sub3A_90, %ge3A_95 : vector<1024x1xi32>
      %lt3A = arith.constant 200 : i32
      %lt3A_97 = vector.broadcast %lt3A : i32 to vector<1024x1xi32>
      %lt3A_98 = arith.cmpi slt, %sub3A_90, %lt3A_97 : vector<1024x1xi32>
      %and3A_99 = arith.andi %ge3A_96, %lt3A_98 : vector<1024x1xi1>
      %get3A_100 = arith.constant 0 : index
      %get3A_101 = arith.constant 0 : index
      %get3A_102 = vector.load %arg11[%get3A_100, %get3A_101] : memref<1024x8xf32, #tpu.memory_space<vmem>>, vector<1024x8xf32>
      %add3A_103 = arith.addf %get3A_102, %dot_general3A_94 : vector<1024x8xf32>
      %ge3A_104 = arith.constant 0.000000e+00 : f32
      %ge3A_105 = vector.broadcast %ge3A_104 : f32 to vector<1024x8xf32>
      %ge3A_106 = arith.cmpf oge, %add3A_103, %ge3A_105 : vector<1024x8xf32>
      %mul3A_107 = arith.constant 2.000000e-01 : f32
      %mul3A_108 = vector.broadcast %mul3A_107 : f32 to vector<1024x8xf32>
      %mul3A_109 = arith.mulf %mul3A_108, %add3A_103 : vector<1024x8xf32>
      %select_n3A_110 = arith.select %ge3A_106, %add3A_103, %mul3A_109 : vector<1024x8xi1>, vector<1024x8xf32>
      %sub3A_111 = vector.broadcast %get3A_30 : vector<1x8xf32> to vector<1024x8xf32>
      %sub3A_112 = arith.subf %select_n3A_110, %sub3A_111 : vector<1024x8xf32>
      %exp3A_113 = math.exp %sub3A_112 : vector<1024x8xf32>
      %jit3A_114 = arith.constant 0.000000e+00 : f32
      %broadcast_in_dim3A_115 = vector.shape_cast %and3A_99 : vector<1024x1xi1> to vector<1024x1xi1>
      %broadcast_in_dim3A_116 = vector.broadcast %broadcast_in_dim3A_115 : vector<1024x1xi1> to vector<1024x8xi1>
      %broadcast_in_dim3A_117 = vector.broadcast %jit3A_114 : f32 to vector<1024x8xf32>
      %select_n3A_118 = arith.select %broadcast_in_dim3A_116, %exp3A_113, %broadcast_in_dim3A_117 : vector<1024x8xi1>, vector<1024x8xf32>
      %dot_general3A_119 = arith.constant dense<0.000000e+00> : vector<1024x128xf32>
      %dot_general3A_120 = tpu.matmul %select_n3A_118, %get3A_33, %dot_general3A_119 {dimension_numbers = #tpu.dot_dimension_numbers<[1], [0], [0], [1], [0, 0, 1, 1], [], []>, precision = #tpu.contract_precision<fp32>, transpose_lhs_hint = false} : vector<1024x8xf32>, vector<8x128xf32>, vector<1024x128xf32> -> vector<1024x128xf32>
      %get3A_121 = arith.constant 0 : index
      %get3A_122 = arith.constant 0 : index
      %get3A_123 = vector.load %arg10[%get3A_121, %get3A_122] : memref<1024x128xf32, #tpu.memory_space<vmem>>, vector<1024x128xf32>
      %mul3A_124 = arith.mulf %get3A_123, %dot_general3A_120 : vector<1024x128xf32>
      %dot_general3A_125 = arith.constant dense<0.000000e+00> : vector<200x128xf32>
      %dot_general3A_126 = tpu.matmul %convert_element_type3A_92, %mul3A_124, %dot_general3A_125 {dimension_numbers = #tpu.dot_dimension_numbers<[0], [0], [1], [1], [0, 1, 1, 1], [], []>, precision = #tpu.contract_precision<fp32>, transpose_lhs_hint = false} : vector<1024x200xf32>, vector<1024x128xf32>, vector<200x128xf32> -> vector<200x128xf32>
      %add3A_127 = arith.addf %while3A_71, %dot_general3A_126 : vector<200x128xf32>
      %dot_general3A_128 = arith.constant dense<0.000000e+00> : vector<200x8xf32>
      %dot_general3A_129 = tpu.matmul %convert_element_type3A_92, %select_n3A_118, %dot_general3A_128 {dimension_numbers = #tpu.dot_dimension_numbers<[0], [0], [1], [1], [0, 1, 1, 1], [], []>, precision = #tpu.contract_precision<fp32>, transpose_lhs_hint = false} : vector<1024x200xf32>, vector<1024x8xf32>, vector<200x8xf32> -> vector<200x8xf32>
      %add3A_130 = arith.addf %while3A_72, %dot_general3A_129 : vector<200x8xf32>
      scf.yield %add3A_127, %add3A_130 : vector<200x128xf32>, vector<200x8xf32>
    }
    %while3A_46 = arith.constant 1 : i32
    %while3A_47:2 = scf.for %while3A_70 = %while3A_43 to %while3A_39 step %while3A_46 iter_args(%while3A_71 = %while3A_45#0, %while3A_72 = %while3A_45#1) -> (vector<200x128xf32>, vector<200x8xf32>)  : i32 {
      %mul3A_73 = arith.constant 1024 : i32
      %mul3A_74 = arith.muli %while3A_70, %mul3A_73 : i32
      %add3A_75 = arith.addi %get3A_0, %mul3A_74 : i32
      %dma_start3A = arith.constant 0 : i32
      %dma_start3A_76 = tpu.memref_slice %arg2[%add3A_75, %dma_start3A] : memref<331776x128xf32, #tpu.memory_space<hbm>> -> memref<1024x128xf32, #tpu.memory_space<hbm>>
      tpu.enqueue_dma source(%dma_start3A_76 : memref<1024x128xf32, #tpu.memory_space<hbm>>) target(%arg10 : memref<1024x128xf32, #tpu.memory_space<vmem>>) target_semaphore(%arg13 : memref<!tpu.dma_semaphore, #tpu.memory_space<semaphore_mem>>)
      %dma_start3A_77 = arith.constant 0 : i32
      %dma_start3A_78 = tpu.memref_slice %arg3[%add3A_75, %dma_start3A_77] : memref<331776x8xf32, #tpu.memory_space<hbm>> -> memref<1024x8xf32, #tpu.memory_space<hbm>>
      tpu.enqueue_dma source(%dma_start3A_78 : memref<1024x8xf32, #tpu.memory_space<hbm>>) target(%arg11 : memref<1024x8xf32, #tpu.memory_space<vmem>>) target_semaphore(%arg14 : memref<!tpu.dma_semaphore, #tpu.memory_space<semaphore_mem>>)
      %dma_start3A_79 = arith.constant 0 : i32
      %dma_start3A_80 = tpu.memref_slice %arg4[%add3A_75, %dma_start3A_79] : memref<331776x1xi32, #tpu.memory_space<hbm>> -> memref<1024x1xi32, #tpu.memory_space<hbm>>
      tpu.enqueue_dma source(%dma_start3A_80 : memref<1024x1xi32, #tpu.memory_space<hbm>>) target(%arg12 : memref<1024x1xi32, #tpu.memory_space<vmem>>) target_semaphore(%arg15 : memref<!tpu.dma_semaphore, #tpu.memory_space<semaphore_mem>>)
      %dma_wait3A = arith.constant 0 : i32
      %dma_wait3A_81 = tpu.memref_slice %arg2[%add3A_75, %dma_wait3A] : memref<331776x128xf32, #tpu.memory_space<hbm>> -> memref<1024x128xf32, #tpu.memory_space<hbm>>
      tpu.wait_dma2 semaphore(%arg13 : memref<!tpu.dma_semaphore, #tpu.memory_space<semaphore_mem>>) src(%dma_wait3A_81 : memref<1024x128xf32, #tpu.memory_space<hbm>>) dst(%arg10 : memref<1024x128xf32, #tpu.memory_space<vmem>>)
      %dma_wait3A_82 = arith.constant 0 : i32
      %dma_wait3A_83 = tpu.memref_slice %arg3[%add3A_75, %dma_wait3A_82] : memref<331776x8xf32, #tpu.memory_space<hbm>> -> memref<1024x8xf32, #tpu.memory_space<hbm>>
      tpu.wait_dma2 semaphore(%arg14 : memref<!tpu.dma_semaphore, #tpu.memory_space<semaphore_mem>>) src(%dma_wait3A_83 : memref<1024x8xf32, #tpu.memory_space<hbm>>) dst(%arg11 : memref<1024x8xf32, #tpu.memory_space<vmem>>)
      %dma_wait3A_84 = arith.constant 0 : i32
      %dma_wait3A_85 = tpu.memref_slice %arg4[%add3A_75, %dma_wait3A_84] : memref<331776x1xi32, #tpu.memory_space<hbm>> -> memref<1024x1xi32, #tpu.memory_space<hbm>>
      tpu.wait_dma2 semaphore(%arg15 : memref<!tpu.dma_semaphore, #tpu.memory_space<semaphore_mem>>) src(%dma_wait3A_85 : memref<1024x1xi32, #tpu.memory_space<hbm>>) dst(%arg12 : memref<1024x1xi32, #tpu.memory_space<vmem>>)
      %get3A_86 = arith.constant 0 : index
      %get3A_87 = arith.constant 0 : index
      %get3A_88 = vector.load %arg12[%get3A_86, %get3A_87] : memref<1024x1xi32, #tpu.memory_space<vmem>>, vector<1024x1xi32>
      %sub3A_89 = vector.broadcast %mul3A_34 : i32 to vector<1024x1xi32>
      %sub3A_90 = arith.subi %get3A_88, %sub3A_89 : vector<1024x1xi32>
      %eq3A = vector.broadcast %sub3A_90 : vector<1024x1xi32> to vector<1024x200xi32>
      %eq3A_91 = arith.cmpi eq, %iota3A, %eq3A : vector<1024x200xi32>
      %convert_element_type3A = arith.extui %eq3A_91 : vector<1024x200xi1> to vector<1024x200xi32>
      %convert_element_type3A_92 = arith.sitofp %convert_element_type3A : vector<1024x200xi32> to vector<1024x200xf32>
      %dot_general3A_93 = arith.constant dense<0.000000e+00> : vector<1024x8xf32>
      %dot_general3A_94 = tpu.matmul %convert_element_type3A_92, %get3A_27, %dot_general3A_93 {dimension_numbers = #tpu.dot_dimension_numbers<[1], [0], [0], [1], [0, 0, 1, 1], [], []>, precision = #tpu.contract_precision<fp32>, transpose_lhs_hint = false} : vector<1024x200xf32>, vector<200x8xf32>, vector<1024x8xf32> -> vector<1024x8xf32>
      %ge3A = arith.constant 0 : i32
      %ge3A_95 = vector.broadcast %ge3A : i32 to vector<1024x1xi32>
      %ge3A_96 = arith.cmpi sge, %sub3A_90, %ge3A_95 : vector<1024x1xi32>
      %lt3A = arith.constant 200 : i32
      %lt3A_97 = vector.broadcast %lt3A : i32 to vector<1024x1xi32>
      %lt3A_98 = arith.cmpi slt, %sub3A_90, %lt3A_97 : vector<1024x1xi32>
      %and3A_99 = arith.andi %ge3A_96, %lt3A_98 : vector<1024x1xi1>
      %get3A_100 = arith.constant 0 : index
      %get3A_101 = arith.constant 0 : index
      %get3A_102 = vector.load %arg11[%get3A_100, %get3A_101] : memref<1024x8xf32, #tpu.memory_space<vmem>>, vector<1024x8xf32>
      %add3A_103 = arith.addf %get3A_102, %dot_general3A_94 : vector<1024x8xf32>
      %ge3A_104 = arith.constant 0.000000e+00 : f32
      %ge3A_105 = vector.broadcast %ge3A_104 : f32 to vector<1024x8xf32>
      %ge3A_106 = arith.cmpf oge, %add3A_103, %ge3A_105 : vector<1024x8xf32>
      %mul3A_107 = arith.constant 2.000000e-01 : f32
      %mul3A_108 = vector.broadcast %mul3A_107 : f32 to vector<1024x8xf32>
      %mul3A_109 = arith.mulf %mul3A_108, %add3A_103 : vector<1024x8xf32>
      %select_n3A_110 = arith.select %ge3A_106, %add3A_103, %mul3A_109 : vector<1024x8xi1>, vector<1024x8xf32>
      %sub3A_111 = vector.broadcast %get3A_30 : vector<1x8xf32> to vector<1024x8xf32>
      %sub3A_112 = arith.subf %select_n3A_110, %sub3A_111 : vector<1024x8xf32>
      %exp3A_113 = math.exp %sub3A_112 : vector<1024x8xf32>
      %jit3A_114 = arith.constant 0.000000e+00 : f32
      %broadcast_in_dim3A_115 = vector.shape_cast %and3A_99 : vector<1024x1xi1> to vector<1024x1xi1>
      %broadcast_in_dim3A_116 = vector.broadcast %broadcast_in_dim3A_115 : vector<1024x1xi1> to vector<1024x8xi1>
      %broadcast_in_dim3A_117 = vector.broadcast %jit3A_114 : f32 to vector<1024x8xf32>
      %select_n3A_118 = arith.select %broadcast_in_dim3A_116, %exp3A_113, %broadcast_in_dim3A_117 : vector<1024x8xi1>, vector<1024x8xf32>
      %dot_general3A_119 = arith.constant dense<0.000000e+00> : vector<1024x128xf32>
      %dot_general3A_120 = tpu.matmul %select_n3A_118, %get3A_33, %dot_general3A_119 {dimension_numbers = #tpu.dot_dimension_numbers<[1], [0], [0], [1], [0, 0, 1, 1], [], []>, precision = #tpu.contract_precision<fp32>, transpose_lhs_hint = false} : vector<1024x8xf32>, vector<8x128xf32>, vector<1024x128xf32> -> vector<1024x128xf32>
      %get3A_121 = arith.constant 0 : index
      %get3A_122 = arith.constant 0 : index
      %get3A_123 = vector.load %arg10[%get3A_121, %get3A_122] : memref<1024x128xf32, #tpu.memory_space<vmem>>, vector<1024x128xf32>
      %mul3A_124 = arith.mulf %get3A_123, %dot_general3A_120 : vector<1024x128xf32>
      %dot_general3A_125 = arith.constant dense<0.000000e+00> : vector<200x128xf32>
      %dot_general3A_126 = tpu.matmul %convert_element_type3A_92, %mul3A_124, %dot_general3A_125 {dimension_numbers = #tpu.dot_dimension_numbers<[0], [0], [1], [1], [0, 1, 1, 1], [], []>, precision = #tpu.contract_precision<fp32>, transpose_lhs_hint = false} : vector<1024x200xf32>, vector<1024x128xf32>, vector<200x128xf32> -> vector<200x128xf32>
      %add3A_127 = arith.addf %while3A_71, %dot_general3A_126 : vector<200x128xf32>
      %dot_general3A_128 = arith.constant dense<0.000000e+00> : vector<200x8xf32>
      %dot_general3A_129 = tpu.matmul %convert_element_type3A_92, %select_n3A_118, %dot_general3A_128 {dimension_numbers = #tpu.dot_dimension_numbers<[0], [0], [1], [1], [0, 1, 1, 1], [], []>, precision = #tpu.contract_precision<fp32>, transpose_lhs_hint = false} : vector<1024x200xf32>, vector<1024x8xf32>, vector<200x8xf32> -> vector<200x8xf32>
      %add3A_130 = arith.addf %while3A_72, %dot_general3A_129 : vector<200x8xf32>
      scf.yield %add3A_127, %add3A_130 : vector<200x128xf32>, vector<200x8xf32>
    }
    %max3A = arith.constant 1.000000e-16 : f32
    %max3A_48 = vector.broadcast %max3A : f32 to vector<200x8xf32>
    %max3A_49 = arith.maximumf %while3A_47#1, %max3A_48 : vector<200x8xf32>
    %get3A_50 = arith.constant 0 : index
    %get3A_51 = arith.constant 0 : index
    %get3A_52 = vector.load %arg8[%get3A_50, %get3A_51] : memref<8x128xf32, #tpu.memory_space<vmem>>, vector<8x128xf32>
    %dot_general3A = arith.constant dense<0.000000e+00> : vector<200x128xf32>
    %dot_general3A_53 = tpu.matmul %max3A_49, %get3A_52, %dot_general3A {dimension_numbers = #tpu.dot_dimension_numbers<[1], [0], [0], [1], [0, 0, 1, 1], [], []>, precision = #tpu.contract_precision<fp32>, transpose_lhs_hint = false} : vector<200x8xf32>, vector<8x128xf32>, vector<200x128xf32> -> vector<200x128xf32>
    %div3A_54 = arith.divf %while3A_47#0, %dot_general3A_53 : vector<200x128xf32>
    %get3A_55 = arith.constant 0 : index
    %get3A_56 = arith.constant 0 : index
    %get3A_57 = vector.load %arg7[%get3A_55, %get3A_56] : memref<1x128xf32, #tpu.memory_space<vmem>>, vector<1x128xf32>
    %add3A_58 = vector.broadcast %get3A_57 : vector<1x128xf32> to vector<200x128xf32>
    %add3A_59 = arith.addf %div3A_54, %add3A_58 : vector<200x128xf32>
    %gt3A = arith.constant 0.000000e+00 : f32
    %gt3A_60 = vector.broadcast %gt3A : f32 to vector<200x128xf32>
    %gt3A_61 = arith.cmpf ogt, %add3A_59, %gt3A_60 : vector<200x128xf32>
    %min3A = arith.constant 0.000000e+00 : f32
    %min3A_62 = vector.broadcast %min3A : f32 to vector<200x128xf32>
    %min3A_63 = arith.minimumf %add3A_59, %min3A_62 : vector<200x128xf32>
    %exp3A = math.exp %min3A_63 : vector<200x128xf32>
    %sub3A_64 = arith.constant 1.000000e+00 : f32
    %sub3A_65 = vector.broadcast %sub3A_64 : f32 to vector<200x128xf32>
    %sub3A_66 = arith.subf %exp3A, %sub3A_65 : vector<200x128xf32>
    %select_n3A_67 = arith.select %gt3A_61, %add3A_59, %sub3A_66 : vector<200x128xi1>, vector<200x128xf32>
    %swap3A = arith.constant 0 : index
    %swap3A_68 = arith.constant 0 : index
    %swap3A_69 = vector.load %arg9[%swap3A, %swap3A_68] : memref<200x128xf32, #tpu.memory_space<vmem>>, vector<200x128xf32>
    tpu.vector_store %arg9[%swap3A, %swap3A_68], %select_n3A_67 {strides = array<i32>} : memref<200x128xf32, #tpu.memory_space<vmem>>, vector<200x128xf32>,
    return
  }
  func.func @transform_3(%arg0: i32, %arg1: memref<51xi32, #tpu.memory_space<smem>>) -> (i32, i32) {
    %c0_i32 = arith.constant 0 : i32
    %c0_i32_0 = arith.constant 0 : i32
    return %arg0, %c0_i32 : i32, i32
  }
  func.func @transform_4(%arg0: i32, %arg1: memref<51xi32, #tpu.memory_space<smem>>) -> (i32, i32) {
    %c0_i32 = arith.constant 0 : i32
    %c0_i32_0 = arith.constant 0 : i32
    %c0_i32_1 = arith.constant 0 : i32
    return %c0_i32, %c0_i32_0 : i32, i32
  }
  func.func @transform_5(%arg0: i32, %arg1: memref<51xi32, #tpu.memory_space<smem>>) -> (i32, i32) {
    %c0_i32 = arith.constant 0 : i32
    %c0_i32_0 = arith.constant 0 : i32
    %c0_i32_1 = arith.constant 0 : i32
    return %c0_i32, %c0_i32_0 : i32, i32
  }
  func.func @transform_6(%arg0: i32, %arg1: memref<51xi32, #tpu.memory_space<smem>>) -> (i32, i32) {
    %c0_i32 = arith.constant 0 : i32
    %c0_i32_0 = arith.constant 0 : i32
    %c0_i32_1 = arith.constant 0 : i32
    return %c0_i32, %c0_i32_0 : i32, i32
  }
  func.func @transform_7(%arg0: i32, %arg1: memref<51xi32, #tpu.memory_space<smem>>) -> (i32, i32) {
    %c0_i32 = arith.constant 0 : i32
    %c0_i32_0 = arith.constant 0 : i32
    return %arg0, %c0_i32 : i32, i32
  }
}

module attributes {stable_mosaic.version = 14 : i64} {
  func.func @_pool_kernel(%arg0: i32, %arg1: memref<2000x128xf32, #tpu.memory_space<vmem>>, %arg2: memref<2000x1xi32, #tpu.memory_space<vmem>>, %arg3: memref<128x1xf32, #tpu.memory_space<vmem>>, %arg4: memref<1x1xf32, #tpu.memory_space<vmem>>, %arg5: memref<512x1xf32, #tpu.memory_space<vmem>>, %arg6: memref<512x128xf32, #tpu.memory_space<vmem>>, %arg7: memref<512x1xf32, #tpu.memory_space<vmem>>) attributes {dimension_semantics = [#tpu.dimension_semantics<arbitrary>], iteration_bounds = array<i64: 5>, scalar_prefetch = 0 : i64, scratch_operands = 2 : i64, tpu.core_type = #tpu.core_type<tc>, window_params = [{transform_indices = @transform_0, window_bounds = array<i64: 2000, 128>}, {transform_indices = @transform_1, window_bounds = array<i64: 2000, 1>}, {pipeline_mode = #tpu.pipeline_mode<synchronous>, transform_indices = @transform_2, window_bounds = array<i64: 128, 1>}, {pipeline_mode = #tpu.pipeline_mode<synchronous>, transform_indices = @transform_3, window_bounds = array<i64: 1, 1>}, {pipeline_mode = #tpu.pipeline_mode<synchronous>, transform_indices = @transform_4, window_bounds = array<i64: 512, 1>}]} {
    %eq3A = arith.constant 0 : i32
    %eq3A_0 = arith.cmpi eq, %arg0, %eq3A : i32
    %convert_element_type3A = arith.extui %eq3A_0 : i1 to i32
    %cond3A = arith.constant 0 : i32
    %cond3A_1 = arith.cmpi ne, %convert_element_type3A, %cond3A : i32
    scf.if %cond3A_1 {
      %broadcast_in_dim3A_32 = arith.constant 0.000000e+00 : f32
      %broadcast_in_dim3A_33 = vector.broadcast %broadcast_in_dim3A_32 : f32 to vector<512x128xf32>
      %swap3A_34 = arith.constant 0 : index
      %swap3A_35 = arith.constant 0 : index
      %swap3A_36 = vector.load %arg6[%swap3A_34, %swap3A_35] : memref<512x128xf32, #tpu.memory_space<vmem>>, vector<512x128xf32>
      tpu.vector_store %arg6[%swap3A_34, %swap3A_35], %broadcast_in_dim3A_33 {strides = array<i32>} : memref<512x128xf32, #tpu.memory_space<vmem>>, vector<512x128xf32>,
      %broadcast_in_dim3A_37 = arith.constant 0.000000e+00 : f32
      %broadcast_in_dim3A_38 = vector.broadcast %broadcast_in_dim3A_37 : f32 to vector<512x1xf32>
      %swap3A_39 = arith.constant 0 : index
      %swap3A_40 = arith.constant 0 : index
      %swap3A_41 = vector.load %arg7[%swap3A_39, %swap3A_40] : memref<512x1xf32, #tpu.memory_space<vmem>>, vector<512x1xf32>
      tpu.vector_store %arg7[%swap3A_39, %swap3A_40], %broadcast_in_dim3A_38 {strides = array<i32>} : memref<512x1xf32, #tpu.memory_space<vmem>>, vector<512x1xf32>,
    } else {
    }
    %iota3A = tpu.iota {dimensions = array<i32: 1>} : vector<2000x512xi32>
    %get3A = arith.constant 0 : index
    %get3A_2 = arith.constant 0 : index
    %get3A_3 = vector.load %arg2[%get3A, %get3A_2] : memref<2000x1xi32, #tpu.memory_space<vmem>>, vector<2000x1xi32>
    %eq3A_4 = vector.broadcast %get3A_3 : vector<2000x1xi32> to vector<2000x512xi32>
    %eq3A_5 = arith.cmpi eq, %iota3A, %eq3A_4 : vector<2000x512xi32>
    %convert_element_type3A_6 = arith.extui %eq3A_5 : vector<2000x512xi1> to vector<2000x512xi32>
    %convert_element_type3A_7 = arith.sitofp %convert_element_type3A_6 : vector<2000x512xi32> to vector<2000x512xf32>
    %get3A_8 = arith.constant 0 : index
    %get3A_9 = arith.constant 0 : index
    %get3A_10 = vector.load %arg6[%get3A_8, %get3A_9] : memref<512x128xf32, #tpu.memory_space<vmem>>, vector<512x128xf32>
    %get3A_11 = arith.constant 0 : index
    %get3A_12 = arith.constant 0 : index
    %get3A_13 = vector.load %arg1[%get3A_11, %get3A_12] : memref<2000x128xf32, #tpu.memory_space<vmem>>, vector<2000x128xf32>
    %dot_general3A = arith.constant dense<0.000000e+00> : vector<512x128xf32>
    %dot_general3A_14 = tpu.matmul %convert_element_type3A_7, %get3A_13, %dot_general3A {dimension_numbers = #tpu.dot_dimension_numbers<[0], [0], [1], [1], [0, 1, 1, 1], [], []>, precision = #tpu.contract_precision<fp32>, transpose_lhs_hint = false} : vector<2000x512xf32>, vector<2000x128xf32>, vector<512x128xf32> -> vector<512x128xf32>
    %add3A = arith.addf %get3A_10, %dot_general3A_14 : vector<512x128xf32>
    %swap3A = arith.constant 0 : index
    %swap3A_15 = arith.constant 0 : index
    %swap3A_16 = vector.load %arg6[%swap3A, %swap3A_15] : memref<512x128xf32, #tpu.memory_space<vmem>>, vector<512x128xf32>
    tpu.vector_store %arg6[%swap3A, %swap3A_15], %add3A {strides = array<i32>} : memref<512x128xf32, #tpu.memory_space<vmem>>, vector<512x128xf32>,
    %get3A_17 = arith.constant 0 : index
    %get3A_18 = arith.constant 0 : index
    %get3A_19 = vector.load %arg7[%get3A_17, %get3A_18] : memref<512x1xf32, #tpu.memory_space<vmem>>, vector<512x1xf32>
    %broadcast_in_dim3A = arith.constant 1.000000e+00 : f32
    %broadcast_in_dim3A_20 = vector.broadcast %broadcast_in_dim3A : f32 to vector<2000x1xf32>
    %dot_general3A_21 = arith.constant dense<0.000000e+00> : vector<512x1xf32>
    %dot_general3A_22 = tpu.matmul %convert_element_type3A_7, %broadcast_in_dim3A_20, %dot_general3A_21 {dimension_numbers = #tpu.dot_dimension_numbers<[0], [0], [1], [1], [0, 1, 1, 1], [], []>, precision = #tpu.contract_precision<fp32>, transpose_lhs_hint = false} : vector<2000x512xf32>, vector<2000x1xf32>, vector<512x1xf32> -> vector<512x1xf32>
    %add3A_23 = arith.addf %get3A_19, %dot_general3A_22 : vector<512x1xf32>
    %swap3A_24 = arith.constant 0 : index
    %swap3A_25 = arith.constant 0 : index
    %swap3A_26 = vector.load %arg7[%swap3A_24, %swap3A_25] : memref<512x1xf32, #tpu.memory_space<vmem>>, vector<512x1xf32>
    tpu.vector_store %arg7[%swap3A_24, %swap3A_25], %add3A_23 {strides = array<i32>} : memref<512x1xf32, #tpu.memory_space<vmem>>, vector<512x1xf32>,
    %eq3A_27 = arith.constant 4 : i32
    %eq3A_28 = arith.cmpi eq, %arg0, %eq3A_27 : i32
    %convert_element_type3A_29 = arith.extui %eq3A_28 : i1 to i32
    %cond3A_30 = arith.constant 0 : i32
    %cond3A_31 = arith.cmpi ne, %convert_element_type3A_29, %cond3A_30 : i32
    scf.if %cond3A_31 {
      %get3A_32 = arith.constant 0 : index
      %get3A_33 = arith.constant 0 : index
      %get3A_34 = vector.load %arg6[%get3A_32, %get3A_33] : memref<512x128xf32, #tpu.memory_space<vmem>>, vector<512x128xf32>
      %get3A_35 = arith.constant 0 : index
      %get3A_36 = arith.constant 0 : index
      %get3A_37 = vector.load %arg7[%get3A_35, %get3A_36] : memref<512x1xf32, #tpu.memory_space<vmem>>, vector<512x1xf32>
      %max3A = arith.constant 1.000000e+00 : f32
      %max3A_38 = vector.broadcast %max3A : f32 to vector<512x1xf32>
      %max3A_39 = arith.maximumf %get3A_37, %max3A_38 : vector<512x1xf32>
      %div3A = vector.broadcast %max3A_39 : vector<512x1xf32> to vector<512x128xf32>
      %div3A_40 = arith.divf %get3A_34, %div3A : vector<512x128xf32>
      %get3A_41 = arith.constant 0 : index
      %get3A_42 = arith.constant 0 : index
      %get3A_43 = vector.load %arg3[%get3A_41, %get3A_42] : memref<128x1xf32, #tpu.memory_space<vmem>>, vector<128x1xf32>
      %dot_general3A_44 = arith.constant dense<0.000000e+00> : vector<512x1xf32>
      %dot_general3A_45 = tpu.matmul %div3A_40, %get3A_43, %dot_general3A_44 {dimension_numbers = #tpu.dot_dimension_numbers<[1], [0], [0], [1], [0, 0, 1, 1], [], []>, precision = #tpu.contract_precision<fp32>, transpose_lhs_hint = false} : vector<512x128xf32>, vector<128x1xf32>, vector<512x1xf32> -> vector<512x1xf32>
      %get3A_46 = arith.constant 0 : index
      %get3A_47 = arith.constant 0 : index
      %get3A_48 = vector.load %arg4[%get3A_46, %get3A_47] : memref<1x1xf32, #tpu.memory_space<vmem>>, vector<1x1xf32>
      %add3A_49 = vector.broadcast %get3A_48 : vector<1x1xf32> to vector<512x1xf32>
      %add3A_50 = arith.addf %dot_general3A_45, %add3A_49 : vector<512x1xf32>
      %swap3A_51 = arith.constant 0 : index
      %swap3A_52 = arith.constant 0 : index
      %swap3A_53 = vector.load %arg5[%swap3A_51, %swap3A_52] : memref<512x1xf32, #tpu.memory_space<vmem>>, vector<512x1xf32>
      tpu.vector_store %arg5[%swap3A_51, %swap3A_52], %add3A_50 {strides = array<i32>} : memref<512x1xf32, #tpu.memory_space<vmem>>, vector<512x1xf32>,
    } else {
    }
    return
  }
  func.func @transform_0(%arg0: i32) -> (i32, i32) {
    %c0_i32 = arith.constant 0 : i32
    %c0_i32_0 = arith.constant 0 : i32
    return %arg0, %c0_i32 : i32, i32
  }
  func.func @transform_1(%arg0: i32) -> (i32, i32) {
    %c0_i32 = arith.constant 0 : i32
    %c0_i32_0 = arith.constant 0 : i32
    return %arg0, %c0_i32 : i32, i32
  }
  func.func @transform_2(%arg0: i32) -> (i32, i32) {
    %c0_i32 = arith.constant 0 : i32
    %c0_i32_0 = arith.constant 0 : i32
    %c0_i32_1 = arith.constant 0 : i32
    return %c0_i32, %c0_i32_0 : i32, i32
  }
  func.func @transform_3(%arg0: i32) -> (i32, i32) {
    %c0_i32 = arith.constant 0 : i32
    %c0_i32_0 = arith.constant 0 : i32
    %c0_i32_1 = arith.constant 0 : i32
    return %c0_i32, %c0_i32_0 : i32, i32
  }
  func.func @transform_4(%arg0: i32) -> (i32, i32) {
    %c0_i32 = arith.constant 0 : i32
    %c0_i32_0 = arith.constant 0 : i32
    %c0_i32_1 = arith.constant 0 : i32
    return %c0_i32, %c0_i32_0 : i32, i32
  }
}

</mosaic_0001>

<sc_bundles>
// kernel: gather_offload_async_start.1
scs
__scs_entry_jumppad:
0x0: {  	(pc) =	sbr.rel $0x88, $3  }
0x1: {  	(tag) =	ssettag $0x0;
	lr =	simm.s32 $0x1  }
0x2: {  	[smem:$0x3F90] =	sst lr;
	_ =	strace $0xD0000000  }
0x3: {  	_ = 	snop  }
0x4: {  	_ = 	snop  }
0x5: {  	_ = 	snop  }
0x6: {  	_ = 	snop  }
0x7: {  	_ = 	snop  }
__scs_overlays_trampoline_lowered:
0x8: {  	[smem:$0x3F9F] =	sst s0  }
0x9: {  	[smem:$0x3FA0] =	sst s1  }
0xa: {  	[smem:$0x3FA1] =	sst s2  }
0xb: {  	[smem:$0x3FA2] =	sst s3  }
0xc: {  	[smem:$0x3FA3] =	sst s4  }
0xd: {  	[smem:$0x3FA4] =	sst s5  }
0xe: {  	[smem:$0x3FA5] =	sst s6  }
0xf: {  	[smem:$0x3FA6] =	sst s7  }
0x10: {  	[smem:$0x3FA7] =	sst s8  }
0x11: {  	[smem:$0x3FA8] =	sst s9;
	s0 =	simm.s32 @!p0 $0x0  }
0x12: {  	s1 =	sld [smem:$0x3F8E];
	s0 =	simm.s32 @p0 $0x1  }
0x13: {  	[smem:$0x3FA9] =	sst s0;
	s0 =	simm.s32 @!p1 $0x0  }
0x14: {  	s2 =	sld [smem:$0x3F8D];
	s0 =	simm.s32 @p1 $0x1  }
0x15: {  	[smem:$0x3FAA] =	sst s0;
	s0 =	simm.s32 @!p2 $0x0  }
0x16: {  	s3 =	sld [smem:$0x3FDB];
	s0 =	simm.s32 @p2 $0x1  }
0x17: {  	s4 =	simm.s32 $0x1BF5;
	[smem:$0x3FAC] =	sst s0  }
0x18: {  	s0 =	sld [smem:$0x3F8F];
	_ =	swait.ge [sflag:s4], $0x0  }
0x19: {  	s7 =	sld [smem:$0x3F90]  }
0x1a: {  	s8 =	sadd.s32 $0xFFFFE003, lr  }
0x1b: {  	s9 =	sadd.s32 $0xFFFFFEF7, lr;
	s5 =	simm.s32 $0xFFFFFFFF;
	p2 =	slt.u32 s8, $0xFFFFF086  }
0x1c: {  	p1 =	slt.u32 s9, $0xF7A;
	s5 =	simm.s32 @!p2 $0x0  }
0x1d: {  	s5 =	simm.s32 @p1 $0x1;
	p0 =	seq.s32 s7, s2  }
0x1e: {  	s7 =	smul.u32 @!p0 $0xF7A, s2;
	p2 =	seq.s32 @!p0 s5, $0x0  }
0x1f: {  	s9 =	smul.u32 $0xF7A, s1;
	s8 =	simm.s32 @!p0 $0x1BF5;
	p2 =	por !p2, p0  }
0x20: {  	[sflag:s8] =	ssyncset.s32 @!p0 $0xFFFFF086;
	s6 =	sadd.s32 @!p0 s3, s7;
	s7 =	simm.s32 @!p0 $0x108  }
0x21: {  	s3 =	sadd.s32 s3, s9;
	s6 =	sadd.s32 @!p0 $0x88, s6;
	s7 =	simm.s32 @p2 $0x1082  }
0x22: {  	[simem:s7], [sflag:s8] =	dma.local @!p0 [hbm:s6], $0xF7A  }
0x23: {  	s9 =	sor.u32 $0xD0000000, s2;
	s6 =	simm.s32 $0x108;
	_ =	swait.ge @!p0 [sflag:s8], $0x0  }
0x24: {  	s3 =	sadd.s32 $0x88, s3;
	s6 =	simm.s32 @!p1 $0x1082;
	[sflag:s4] =	ssyncset.s32 $0xFFFFF086  }
0x25: {  	[simem:s6], [sflag:s4] =	dma.local [hbm:s3], $0xF7A  }
0x26: {  	[smem:$0x3F90] =	sst s1;
	(tag) =	ssettag s2;
	_ =	strace s9  }
0x27: {  	s1 =	sld [smem:$0x3FA0]  }
0x28: {  	s2 =	sld [smem:$0x3FA1]  }
0x29: {  	s4 =	sld [smem:$0x3FA3]  }
0x2a: {  	p0 =	seq.s32 s5, $0x0;
	s5 =	sld [smem:$0x3FA4]  }
0x2b: {  	s6 =	sld [smem:$0x3FA5]  }
0x2c: {  	s7 =	sld [smem:$0x3FA6]  }
0x2d: {  	s3 =	simm.s32 $0x108;
	s8 =	sld [smem:$0x3FA7]  }
0x2e: {  	s3 =	simm.s32 @!p0 $0x1082;
	s9 =	sld [smem:$0x3FA8]  }
0x2f: {  	lr =	sadd.s32 s0, s3;
	s0 =	sld [smem:$0x3F9F]  }
0x30: {  	s3 =	sld [smem:$0x3FA2]  }
0x31: {  	[smem:$0x3FAB] =	sst s10  }
0x32: {  	s10 =	sld [smem:$0x3FA9];
	_ =	sdelay $0x3  }
0x33: {  	p0 =	seq.s32 s10, $0x1;
	s10 =	sld [smem:$0x3FAB];
	_ =	sdelay $0x3  }
0x34: {  	[smem:$0x3FAB] =	sst s10  }
0x35: {  	s10 =	sld [smem:$0x3FAA];
	_ =	sdelay $0x3  }
0x36: {  	p1 =	seq.s32 s10, $0x1;
	s10 =	sld [smem:$0x3FAB];
	_ =	sdelay $0x3  }
0x37: {  	[smem:$0x3FAB] =	sst s10  }
0x38: {  	s10 =	sld [smem:$0x3FAC]  }
0x39: {  	_ = 	snop;
	(pc) =	sbr.ind lr, $3  }
0x3a: {  	_ = 	snop  }
0x3b: {  	_ = 	snop  }
0x3c: {  	p2 =	seq.s32 s10, $0x1;
	s10 =	sld [smem:$0x3FAB]  }
0x3d: {  	_ =	shalt  }
0x3e: {  	_ =	shalt  }
0x3f: {  	_ =	shalt  }
0x40: {  	_ =	shalt  }
0x41: {  	_ =	shalt  }
0x42: {  	_ =	shalt  }
0x43: {  	_ =	shalt  }
0x44: {  	_ =	shalt  }
0x45: {  	_ =	shalt  }
0x46: {  	_ =	shalt  }
0x47: {  	_ =	shalt  }
0x48: {  	_ =	shalt  }
0x49: {  	_ =	shalt  }
0x4a: {  	_ =	shalt  }
0x4b: {  	_ =	shalt  }
0x4c: {  	_ =	shalt  }
0x4d: {  	_ =	shalt  }
0x4e: {  	_ =	shalt  }
0x4f: {  	_ =	shalt  }
0x50: {  	_ =	shalt  }
0x51: {  	_ =	shalt  }
0x52: {  	_ =	shalt  }
0x53: {  	_ =	shalt  }
0x54: {  	_ =	shalt  }
0x55: {  	_ =	shalt  }
0x56: {  	_ =	shalt  }
0x57: {  	_ =	shalt  }
0x58: {  	_ =	shalt  }
0x59: {  	_ =	shalt  }
0x5a: {  	_ =	shalt  }
0x5b: {  	_ =	shalt  }
0x5c: {  	_ =	shalt  }
0x5d: {  	_ =	shalt  }
0x5e: {  	_ =	shalt  }
0x5f: {  	_ =	shalt  }
0x60: {  	_ =	shalt  }
0x61: {  	_ =	shalt  }
0x62: {  	_ =	shalt  }
0x63: {  	_ =	shalt  }
0x64: {  	_ =	shalt  }
0x65: {  	_ =	shalt  }
0x66: {  	_ =	shalt  }
0x67: {  	_ =	shalt  }
0x68: {  	_ =	shalt  }
0x69: {  	_ =	shalt  }
0x6a: {  	_ =	shalt  }
0x6b: {  	_ =	shalt  }
0x6c: {  	_ =	shalt  }
0x6d: {  	_ =	shalt  }
0x6e: {  	_ =	shalt  }
0x6f: {  	_ =	shalt  }
0x70: {  	_ =	shalt  }
0x71: {  	_ =	shalt  }
0x72: {  	_ =	shalt  }
0x73: {  	_ =	shalt  }
0x74: {  	_ =	shalt  }
0x75: {  	_ =	shalt  }
0x76: {  	_ =	shalt  }
0x77: {  	_ =	shalt  }
0x78: {  	_ =	shalt  }
0x79: {  	_ =	shalt  }
0x7a: {  	_ =	shalt  }
0x7b: {  	_ =	shalt  }
0x7c: {  	_ =	shalt  }
0x7d: {  	_ =	shalt  }
0x7e: {  	_ =	shalt  }
0x7f: {  	_ =	shalt  }
0x80: {  	_ =	shalt  }
0x81: {  	_ =	shalt  }
0x82: {  	_ =	shalt  }
0x83: {  	_ =	shalt  }
0x84: {  	_ =	shalt  }
0x85: {  	_ =	shalt  }
0x86: {  	_ =	shalt  }
0x87: {  	_ =	shalt  }
.Lfunc_end0:
.L_simem_size_0:
called_computation.1_lowered:
.L_overlay_start_0:
0x88: {  	s0 =	sld [smem:$0x3FD9]  }
0x89: {  	s1 =	sld [smem:$0x3FFE];
	_ =	sdelay $0x3  }
0x8a: {  	s0 =	sadd.s32 s1, s0  }
0x8b: {  	[smem:$0x3FB7] =	sst s0  }
0x8c: {  	_ = 	snop  }
0x8d: {  	(tm) =	ssettm $0x1  }
0x8e: {  	s15 =	sld [smem:$0x3FFB];
	_ =	sdelay $0x3  }
0x8f: {  	_ =	strace s15  }
0x90: {  	s0 =	sld [smem:$0x3FFC];
	_ =	sdelay $0x3  }
0x91: {  	_ =	strace s0  }
0x92: {  	s0 =	sld [smem:$0x3FFD];
	_ =	sdelay $0x3  }
0x93: {  	_ =	strace s0  }
0x94: {  	_ =	strace $0x8FFFFFFF  }
0x95: {  	s16 =	sld [smem:$0x3FDB];
	_ =	sdelay $0x1  }
0x96: {  	s17 =	simm.s32 $_scs_section_size  }
0x97: {  	s2 =	simm.s32 $_size__tile_overlayer_lowered;
	s3 =	simm.s32 $_tile_overlayer_lowered  }
0x98: {  	s20 =	simm.s32 $0x1BFF;
	s19 =	sshll.u32 s3, $0x1;
	s0 =	sadd.s32 s17, s16  }
0x99: {  	s4 =	simm.s32 $0x0;
	s18 =	sshll.u32 s2, $0x1;
	s2 =	sadd.s32 s19, s0  }
0x9a: {  	[timem:s4], [sflag:s20] =	dma.local [hbm:s2], s18  }
0x9b: {  	_ =	swait.ge [sflag:s20], s18  }
0x9c: {  	s1 =	ssub.s32 $0x0, s18;
	[sflag:s20] =	ssyncset.done $0x0  }
0x9d: {  	[sflag:s20] =	ssyncadd.s32 s1;
	_ =	sdelay $0x1  }
0x9e: {  	s21 =	simm.s32 $0x1B8B  }
0x9f: {  	_ =	swait.ge [sflag:s21], $0x1  }
0xa0: {  	[sflag:s21] =	ssyncset.done $0x0  }
0xa1: {  	s23 =	simm.s32 $0x1B8E;
	s22 =	sld [smem:$0x3FFE];
	[sflag:s21] =	ssyncadd.s32 $0xFFFFFFFF  }
0xa2: {  	s24 =	simm.s32 $execute0_lowered;
	[smem:$0x3FD2] =	sst s23  }
0xa3: {  	s2 =	sshll.u32 s24, $0x1;
	_ =	strace $0x80000046;
	[dreg:$0x1] =	wrdreg $0xFFFFFFFF  }
0xa4: {  	s25 =	simm.s32 $_size_execute0_lowered;
	s0 =	sadd.s32 s0, s2;
	[dreg:$0x0] =	wrdreg $0x0  }
0xa5: {  	s2 =	sshll.u32 s25, $0x1;
	[dreg:$0x2] =	wrdreg s0  }
0xa6: {  	[dreg:$0x3] =	wrdreg s2  }
0xa7: {  	[dreg:$0x4] =	wrdreg $0xC0  }
0xa8: {  	_ =	task [dreg:s4], $0x5FFFF  }
0xa9: {  	[dreg:$0x1] =	wrdreg $0xFFFFFFFF  }
0xaa: {  	[dreg:$0x0] =	wrdreg $0x60  }
0xab: {  	[dreg:$0x2] =	wrdreg s22  }
0xac: {  	[dreg:$0x3] =	wrdreg $0x9  }
0xad: {  	_ =	task.clear_ibuf [dreg:s4], $0x4FFFF;
	_ =	strace $0x90000046  }
0xae: {  	s26 =	simm.s32 $0x9;
	_ =	strace $0x80000048  }
0xaf: {  	_ =	swait.ge [sflag:s26], $0x1  }
0xb0: {  	[sflag:s26] =	ssyncadd.s32 $0xFFFFFFFF  }
0xb1: {  	_ =	strace $0x90000048  }
0xb2: {  	_ =	sfence  }
0xb3: {  	s28 =	sld [smem:$0x0];
	_ =	sdelay $0x1  }
0xb4: {  	s29 =	srdreg.scid  }
0xb5: {  	s30 =	sshll.u32 s29, $0xD;
	s31 =	sshrl.u32 s29, $0x2  }
0xb6: {  	s1 =	sand.u32 $0x1, s29;
	s2 =	sand.u32 $0x4000, s30;
	s0 =	sadd.s32 s31, s28  }
0xb7: {  	s1 =	sor.u32 s2, s1;
	s0 =	sshll.u32 s0, $0x11  }
0xb8: {  	s0 =	sor.u32 s0, s1  }
0xb9: {  	s0 =	sadd.s32 $0x8F2B, s0  }
0xba: {  	[sflag:s0] =	ssyncadd.remote.s32 $0x1  }
0xbb: {  	_ =	sfence.sel $0xFFFF  }
0xbc: {  	[dreg:$0x0] =	wrdreg $0xFFFFFFFF;
	(pc) =	sbr.abs _section_cstart, $3  }
0xbd: {  	[dreg:$0x1] =	wrdreg $0xFFFFFFFF  }
0xbe: {  	_ =	task.clear_ibuf [dreg:s4], $0x2FFFF;
	_ =	strace $0x9FFFFFFF  }
0xbf: {  	(tm) =	ssettm $0x7FFFFFFF  }
tec
execute0_lowered:
.L_overlay_start_1:
0x0: {  	(tag) =	ssettag $0x1  }
0x1: {  	s8 =	rddreg [dreg:$0x0]  }
0x2: {  	s0 =	rddreg [dreg:$0x1];
	_ =	strace $0x80000047  }
0x3: {  	s4 =	simm.s32 $0x1;
	s1 =	stileid.u32;
	s7 =	simm.s32 $0x1  }
0x4: {  	s9 =	simm.s32 $0x1;
	s6 =	simm.s32 $0x2;
	s10 =	simm.s32 $0x3  }
0x5: {  	s13 =	simm.s32 $0x0;
	s12 =	simm.s32 $0x0;
	s2 =	sadd.s32 $0x5000, s8  }
.Ltmp0:
0x6: {  	s3 =	sadd.s32 $0x19400, s8;
	p0 =	slt.u32 s1, $0xA;
	(pc) =	sbr.rel .LBB2_1-.Ltmp0, $4  }
0x7: {  	[sflag:s4] =	ssyncpa.u1 $0x0;
	s7 =	simm.s32 @!p0 $0x0;
	p0 =	sne.s32 s1, $0x9  }
0x8: {  	s5 =	smul.u32 $0x3390, s1;
	[sflag:s6] =	ssyncpa.u1 $0x0;
	s9 =	simm.s32 @!p0 $0x0  }
0x9: {  	s8 =	sadd.s32 $0xC2A00, s8;
	[sflag:s10] =	ssyncpa.u1 $0x0;
	s7 =	sadd.s32 s9, s7  }
0xa: {  	vm0 =	vmmov $0xffff;
	s10 =	simm.s32 $0x0;
	s11 =	smov.u32 s5;
	s9 =	sadd.s32 $0x1, s7  }
.LBB2_4:
0xb: {  	v2 =	vnsel vm1, $0x0, v2  }
0xc: {  	vm1 =	vgt.s32 v0, $0x0;
	v2 =	vmin.u32 v2, $0x5090F  }
0xd: {  	v0 =	vnsel vm1, $0x0, v0  }
0xe: {  	v0 =	vmin.u32 v0, $0x5090F  }
0xf: {  	[tilespmem:s18], [sflag:$0x1] =	stream.indirect_vreg.gather [hbm4b:s2+s10], $0x1, v1, vm0, $0x4038;
	[tilespmem:$0xCE40] =	vst v63  }
0x10: {  	(ifvalue) =	ssetifvalue $0x7FFFFFFF  }
0x11: {  	[tilespmem:s15], [sflag:$0x1] =	stream.indirect_vreg.gather [hbm4b:s2+s10], $0x1, v2, vm0, $0x4038;
	[tilespmem:$0xCE40] =	vst v63  }
0x12: {  	s29 =	sadd.s32 $0x10, s15;
	(ifvalue) =	ssetifvalue $0x7FFFFFFF  }
0x13: {  	[tilespmem:s29], [sflag:$0x1] =	stream.indirect_vreg.gather [hbm4b:s2+s10], $0x1, v0, vm0, $0x4038;
	[tilespmem:$0xCE40] =	vst v63  }
0x14: {  	_ =	swait.ge [sflag:s4], $0x3390  }
0x15: {  	s30 =	sshrl.u32 s13, $0x3;
	[sflag:s4] =	ssyncset.done $0x0  }
0x16: {  	s31 =	sand.u32 $0x7, s13;
	s15 =	sadd.s32 s8, s30;
	[sflag:s4] =	ssyncadd.s32 $0xFFFFCC70  }
0x17: {  	[hbm4b:s15+s31] =	stream.linear.scatter [tilespmem:s14], [sflag:$0x3], $0x3390, $0x38;
	[tilespmem:$0xCE40] =	vst v63  }
.LBB2_5:
0x18: {  	s15 =	sadd.s32 $0x33900, s11  }
0x19: {  	p1 =	sgt.s32 s15, $0x5090F  }
0x1a: {  	s15 =	smov.u32 @p1 s5;
	p1 =	sne.s32 s12, s9  }
.Ltmp1:
0x1b: {  	p0 =	slt.u32 s12, $0x2;
	(pc) =	sbr.rel @!p1 .LBB2_6-.Ltmp1, $4  }
0x1c: {  	s14 =	simm.s32 @!p0 $0x3  }
0x1d: {  	_ =	swait.ge @!p0 [sflag:s14], $0x3390  }
0x1e: {  	s16 =	sadd.s32 $0x1, s12;
	s13 =	smov.u32 s11;
	[sflag:s14] =	ssyncset.done @!p0 $0x0  }
0x1f: {  	s12 =	smov.u32 s16;
	s11 =	smov.u32 s15;
	[sflag:s14] =	ssyncadd.s32 @!p0 $0xFFFFCC70  }
.LBB2_1:
0x20: {  	p0 =	sge.u32 s12, s7  }
0x21: {  	s14 =	sxor.u32 @!p0 $0x1, s12  }
0x22: {  	s14 =	smul.u32 @!p0 $0xCE40, s14  }
0x23: {  	s31 =	sadd.s32 $0xFFFFFFFF, s12;
	s15 =	sshrl.u32 @!p0 s11, $0x3  }
0x24: {  	s16 =	sand.u32 @!p0 $0x7, s11;
	s15 =	sadd.s32 @!p0 s3, s15;
	s14 =	sshra.s32 @!p0 s14, $0x2  }
0x25: {  	[tilespmem:s14], [sflag:$0x2] =	stream.linear.gather @!p0 [hbm4b:s15+s16], $0x3390, $0x38;
	[tilespmem:$0xCE40] =	vst v63  }
0x26: {  	p0 =	sge.u32 s31, s7  }
.Ltmp2:
0x27: {  	_ = 	snop;
	(pc) =	sbr.rel @p0 .LBB2_5-.Ltmp2, $1  }
0x28: {  	_ =	sdelay $0x3  }
0x29: {  	s14 =	sand.u32 $0x1, s12  }
0x2a: {  	_ =	swait.ge [sflag:s6], $0x3390;
	p0 =	seq.s32 s14, $0x1;
	s14 =	simm.s32 $0x3390  }
0x2b: {  	[sflag:s6] =	ssyncset.done $0x0;
	s14 =	simm.s32 @!p0 $0x0  }
0x2c: {  	[sflag:s6] =	ssyncadd.s32 $0xFFFFCC70;
	(ifvalue) =	ssetifvalue $0x7FFFFFFF;
	v0 =	vld.msk [tilespmem:s14+$0x0 ss:$0x1], $0xffff;
	_ =	sdelay $0x4  }
0x2d: {  	s15 =	sadd.s32 $0x10, s14;
	vm1 =	vgt.s32 v0, $0x0  }
0x2e: {  	v2 =	vld.msk [tilespmem:s15+$0x0 ss:$0x1], $0xffff;
	v1 =	vnsel vm1, $0x0, v0  }
0x2f: {  	v1 =	vmin.u32 v1, $0x5090F;
	_ =	sdelay $0x2  }
0x30: {  	s17 =	simm.s32 $0x20;
	s14 =	sadd.s32 $0x6720, s14;
	s16 =	sadd.s32 $0x10, s15  }
0x31: {  	s15 =	sadd.s32 $0x10, s14;
	s18 =	smov.u32 s14;
	v0 =	vld.msk [tilespmem:s16+$0x0 ss:$0x1], $0xffff;
	vm1 =	vgt.s32 v2, $0x0;
	(ifvalue) =	ssetifvalue $0x7FFFFFFF  }
.LBB2_3:
0x32: {  	[tilespmem:s18], [sflag:$0x1] =	stream.indirect_vreg.gather [hbm4b:s2+s10], $0x1, v1, vm0, $0x4038;
	[tilespmem:$0xCE40] =	vst v63  }
0x33: {  	s17 =	sadd.s32 $0x10, s17  }
0x34: {  	v2 =	vnsel vm1, $0x0, v2;
	p0 =	slt.u32 s17, $0x3380  }
.Ltmp3:
0x35: {  	s18 =	smov.u32 s15;
	v1 =	vmin.u32 v2, $0x5090F;
	(pc) =	sbr.rel @p0 .LBB2_3-.Ltmp3, $3  }
0x36: {  	_ =	sdelay $0x1  }
0x37: {  	s16 =	sadd.s32 $0x10, s16  }
0x38: {  	vm1 =	vgt.s32 v0, $0x0;
	s15 =	sadd.s32 $0x10, s15;
	v2 =	vmov v0;
	(ifvalue) =	ssetifvalue $0x7FFFFFFF;
	v0 =	vld.msk [tilespmem:s16+$0x0 ss:$0x1], $0xffff  }
.Ltmp4:
0x39: {  	_ = 	snop;
	(pc) =	sbr.rel .LBB2_4-.Ltmp4, $1  }
0x3a: {  	_ =	sdelay $0x3  }
.LBB2_6:
0x3b: {  	_ =	sfence.sel $0x180000  }
0x3c: {  	s2 =	simm.s32 $0x2;
	[bflag:$0x0] =	sbarrier.arrive $0xFFFF  }
0x3d: {  	s30 =	simm.s32 $0x3;
	[sflag:s2] =	ssyncpa.u1 $0x1  }
0x3e: {  	s31 =	simm.s32 $0x1;
	[sflag:s30] =	ssyncpa.u1 $0x1  }
0x3f: {  	[sflag:s31] =	ssyncpa.u1 $0x1  }
0x40: {  	p0 =	sne.s32 s1, $0x0;
	_ =	strace $0x90000047  }
0x41: {  	s0 =	sadd.s32 @!p0 $0x100000, s0;
	[bflag:$0x2] =	sbarrier.arrive $0xFFFF  }
0x42: {  	[sflag:s0] =	ssyncadd.tile.s32 @!p0 $0x1;
	_ =	shalt  }
.Lfunc_end2:
_tile_overlayer_lowered:
.L_overlay_start_2:
0x43: {  	(tag) =	ssettag $0x2  }
0x44: {  	s0 =	rddreg [dreg:$0x0];
	s2 =	stileid.u32  }
0x45: {  	s1 =	rddreg [dreg:$0x1];
	p0 =	sne.s32 s2, $0x0  }
0x46: {  	s3 =	rddreg [dreg:$0x2];
	[bflag:$0x3] =	sbarrier.arrive $0xFFFF;
	s2 =	simm.s32 @!p0 $0x1C01  }
0x47: {  	[timem:s3], [sflag:s2] =	dma.local @!p0 [hbm:s0], s1  }
0x48: {  	s0 =	simm.s32 @!p0 $0x1  }
0x49: {  	_ =	swait.ge @!p0 [sflag:s0], s1  }
0x4a: {  	s1 =	ssub.s32 @!p0 $0x0, s1;
	[sflag:s0] =	ssyncset.done @!p0 $0x0  }
0x4b: {  	[sflag:s0] =	ssyncadd.s32 @!p0 s1  }
0x4c: {  	[bflag:$0x3] =	sbarrier.arrive $0xFFFF  }
0x4d: {  	_ =	shalt  }

// kernel: gather_offload_async_start
scs
__scs_entry_jumppad:
0x0: {  	(pc) =	sbr.rel $0x88, $3  }
0x1: {  	(tag) =	ssettag $0x0;
	lr =	simm.s32 $0x1  }
0x2: {  	[smem:$0x3F90] =	sst lr;
	_ =	strace $0xD0000000  }
0x3: {  	_ = 	snop  }
0x4: {  	_ = 	snop  }
0x5: {  	_ = 	snop  }
0x6: {  	_ = 	snop  }
0x7: {  	_ = 	snop  }
__scs_overlays_trampoline_lowered:
0x8: {  	[smem:$0x3F9F] =	sst s0  }
0x9: {  	[smem:$0x3FA0] =	sst s1  }
0xa: {  	[smem:$0x3FA1] =	sst s2  }
0xb: {  	[smem:$0x3FA2] =	sst s3  }
0xc: {  	[smem:$0x3FA3] =	sst s4  }
0xd: {  	[smem:$0x3FA4] =	sst s5  }
0xe: {  	[smem:$0x3FA5] =	sst s6  }
0xf: {  	[smem:$0x3FA6] =	sst s7  }
0x10: {  	[smem:$0x3FA7] =	sst s8  }
0x11: {  	[smem:$0x3FA8] =	sst s9;
	s0 =	simm.s32 @!p0 $0x0  }
0x12: {  	s1 =	sld [smem:$0x3F8E];
	s0 =	simm.s32 @p0 $0x1  }
0x13: {  	[smem:$0x3FA9] =	sst s0;
	s0 =	simm.s32 @!p1 $0x0  }
0x14: {  	s2 =	sld [smem:$0x3F8D];
	s0 =	simm.s32 @p1 $0x1  }
0x15: {  	[smem:$0x3FAA] =	sst s0;
	s0 =	simm.s32 @!p2 $0x0  }
0x16: {  	s3 =	sld [smem:$0x3FDB];
	s0 =	simm.s32 @p2 $0x1  }
0x17: {  	s4 =	simm.s32 $0x1BF5;
	[smem:$0x3FAC] =	sst s0  }
0x18: {  	s0 =	sld [smem:$0x3F8F];
	_ =	swait.ge [sflag:s4], $0x0  }
0x19: {  	s7 =	sld [smem:$0x3F90]  }
0x1a: {  	s8 =	sadd.s32 $0xFFFFE003, lr  }
0x1b: {  	s9 =	sadd.s32 $0xFFFFFEF7, lr;
	s5 =	simm.s32 $0xFFFFFFFF;
	p2 =	slt.u32 s8, $0xFFFFF086  }
0x1c: {  	p1 =	slt.u32 s9, $0xF7A;
	s5 =	simm.s32 @!p2 $0x0  }
0x1d: {  	s5 =	simm.s32 @p1 $0x1;
	p0 =	seq.s32 s7, s2  }
0x1e: {  	s7 =	smul.u32 @!p0 $0xF7A, s2;
	p2 =	seq.s32 @!p0 s5, $0x0  }
0x1f: {  	s9 =	smul.u32 $0xF7A, s1;
	s8 =	simm.s32 @!p0 $0x1BF5;
	p2 =	por !p2, p0  }
0x20: {  	[sflag:s8] =	ssyncset.s32 @!p0 $0xFFFFF086;
	s6 =	sadd.s32 @!p0 s3, s7;
	s7 =	simm.s32 @!p0 $0x108  }
0x21: {  	s3 =	sadd.s32 s3, s9;
	s6 =	sadd.s32 @!p0 $0x88, s6;
	s7 =	simm.s32 @p2 $0x1082  }
0x22: {  	[simem:s7], [sflag:s8] =	dma.local @!p0 [hbm:s6], $0xF7A  }
0x23: {  	s9 =	sor.u32 $0xD0000000, s2;
	s6 =	simm.s32 $0x108;
	_ =	swait.ge @!p0 [sflag:s8], $0x0  }
0x24: {  	s3 =	sadd.s32 $0x88, s3;
	s6 =	simm.s32 @!p1 $0x1082;
	[sflag:s4] =	ssyncset.s32 $0xFFFFF086  }
0x25: {  	[simem:s6], [sflag:s4] =	dma.local [hbm:s3], $0xF7A  }
0x26: {  	[smem:$0x3F90] =	sst s1;
	(tag) =	ssettag s2;
	_ =	strace s9  }
0x27: {  	s1 =	sld [smem:$0x3FA0]  }
0x28: {  	s2 =	sld [smem:$0x3FA1]  }
0x29: {  	s4 =	sld [smem:$0x3FA3]  }
0x2a: {  	p0 =	seq.s32 s5, $0x0;
	s5 =	sld [smem:$0x3FA4]  }
0x2b: {  	s6 =	sld [smem:$0x3FA5]  }
0x2c: {  	s7 =	sld [smem:$0x3FA6]  }
0x2d: {  	s3 =	simm.s32 $0x108;
	s8 =	sld [smem:$0x3FA7]  }
0x2e: {  	s3 =	simm.s32 @!p0 $0x1082;
	s9 =	sld [smem:$0x3FA8]  }
0x2f: {  	lr =	sadd.s32 s0, s3;
	s0 =	sld [smem:$0x3F9F]  }
0x30: {  	s3 =	sld [smem:$0x3FA2]  }
0x31: {  	[smem:$0x3FAB] =	sst s10  }
0x32: {  	s10 =	sld [smem:$0x3FA9];
	_ =	sdelay $0x3  }
0x33: {  	p0 =	seq.s32 s10, $0x1;
	s10 =	sld [smem:$0x3FAB];
	_ =	sdelay $0x3  }
0x34: {  	[smem:$0x3FAB] =	sst s10  }
0x35: {  	s10 =	sld [smem:$0x3FAA];
	_ =	sdelay $0x3  }
0x36: {  	p1 =	seq.s32 s10, $0x1;
	s10 =	sld [smem:$0x3FAB];
	_ =	sdelay $0x3  }
0x37: {  	[smem:$0x3FAB] =	sst s10  }
0x38: {  	s10 =	sld [smem:$0x3FAC]  }
0x39: {  	_ = 	snop;
	(pc) =	sbr.ind lr, $3  }
0x3a: {  	_ = 	snop  }
0x3b: {  	_ = 	snop  }
0x3c: {  	p2 =	seq.s32 s10, $0x1;
	s10 =	sld [smem:$0x3FAB]  }
0x3d: {  	_ =	shalt  }
0x3e: {  	_ =	shalt  }
0x3f: {  	_ =	shalt  }
0x40: {  	_ =	shalt  }
0x41: {  	_ =	shalt  }
0x42: {  	_ =	shalt  }
0x43: {  	_ =	shalt  }
0x44: {  	_ =	shalt  }
0x45: {  	_ =	shalt  }
0x46: {  	_ =	shalt  }
0x47: {  	_ =	shalt  }
0x48: {  	_ =	shalt  }
0x49: {  	_ =	shalt  }
0x4a: {  	_ =	shalt  }
0x4b: {  	_ =	shalt  }
0x4c: {  	_ =	shalt  }
0x4d: {  	_ =	shalt  }
0x4e: {  	_ =	shalt  }
0x4f: {  	_ =	shalt  }
0x50: {  	_ =	shalt  }
0x51: {  	_ =	shalt  }
0x52: {  	_ =	shalt  }
0x53: {  	_ =	shalt  }
0x54: {  	_ =	shalt  }
0x55: {  	_ =	shalt  }
0x56: {  	_ =	shalt  }
0x57: {  	_ =	shalt  }
0x58: {  	_ =	shalt  }
0x59: {  	_ =	shalt  }
0x5a: {  	_ =	shalt  }
0x5b: {  	_ =	shalt  }
0x5c: {  	_ =	shalt  }
0x5d: {  	_ =	shalt  }
0x5e: {  	_ =	shalt  }
0x5f: {  	_ =	shalt  }
0x60: {  	_ =	shalt  }
0x61: {  	_ =	shalt  }
0x62: {  	_ =	shalt  }
0x63: {  	_ =	shalt  }
0x64: {  	_ =	shalt  }
0x65: {  	_ =	shalt  }
0x66: {  	_ =	shalt  }
0x67: {  	_ =	shalt  }
0x68: {  	_ =	shalt  }
0x69: {  	_ =	shalt  }
0x6a: {  	_ =	shalt  }
0x6b: {  	_ =	shalt  }
0x6c: {  	_ =	shalt  }
0x6d: {  	_ =	shalt  }
0x6e: {  	_ =	shalt  }
0x6f: {  	_ =	shalt  }
0x70: {  	_ =	shalt  }
0x71: {  	_ =	shalt  }
0x72: {  	_ =	shalt  }
0x73: {  	_ =	shalt  }
0x74: {  	_ =	shalt  }
0x75: {  	_ =	shalt  }
0x76: {  	_ =	shalt  }
0x77: {  	_ =	shalt  }
0x78: {  	_ =	shalt  }
0x79: {  	_ =	shalt  }
0x7a: {  	_ =	shalt  }
0x7b: {  	_ =	shalt  }
0x7c: {  	_ =	shalt  }
0x7d: {  	_ =	shalt  }
0x7e: {  	_ =	shalt  }
0x7f: {  	_ =	shalt  }
0x80: {  	_ =	shalt  }
0x81: {  	_ =	shalt  }
0x82: {  	_ =	shalt  }
0x83: {  	_ =	shalt  }
0x84: {  	_ =	shalt  }
0x85: {  	_ =	shalt  }
0x86: {  	_ =	shalt  }
0x87: {  	_ =	shalt  }
.Lfunc_end0:
.L_simem_size_0:
called_computation_lowered:
.L_overlay_start_0:
0x88: {  	s0 =	sld [smem:$0x3FD9]  }
0x89: {  	s1 =	sld [smem:$0x3FFE];
	_ =	sdelay $0x3  }
0x8a: {  	s0 =	sadd.s32 s1, s0  }
0x8b: {  	[smem:$0x3FB7] =	sst s0  }
0x8c: {  	_ = 	snop  }
0x8d: {  	(tm) =	ssettm $0x1  }
0x8e: {  	s15 =	sld [smem:$0x3FFB];
	_ =	sdelay $0x3  }
0x8f: {  	_ =	strace s15  }
0x90: {  	s0 =	sld [smem:$0x3FFC];
	_ =	sdelay $0x3  }
0x91: {  	_ =	strace s0  }
0x92: {  	s0 =	sld [smem:$0x3FFD];
	_ =	sdelay $0x3  }
0x93: {  	_ =	strace s0  }
0x94: {  	_ =	strace $0x8FFFFFFF  }
0x95: {  	s16 =	sld [smem:$0x3FDB];
	_ =	sdelay $0x1  }
0x96: {  	s17 =	simm.s32 $_scs_section_size  }
0x97: {  	s2 =	simm.s32 $_size__tile_overlayer_lowered;
	s3 =	simm.s32 $_tile_overlayer_lowered  }
0x98: {  	s20 =	simm.s32 $0x1BFF;
	s19 =	sshll.u32 s3, $0x1;
	s0 =	sadd.s32 s17, s16  }
0x99: {  	s4 =	simm.s32 $0x0;
	s18 =	sshll.u32 s2, $0x1;
	s2 =	sadd.s32 s19, s0  }
0x9a: {  	[timem:s4], [sflag:s20] =	dma.local [hbm:s2], s18  }
0x9b: {  	_ =	swait.ge [sflag:s20], s18  }
0x9c: {  	s1 =	ssub.s32 $0x0, s18;
	[sflag:s20] =	ssyncset.done $0x0  }
0x9d: {  	[sflag:s20] =	ssyncadd.s32 s1;
	_ =	sdelay $0x1  }
0x9e: {  	s21 =	simm.s32 $0x1B8B  }
0x9f: {  	_ =	swait.ge [sflag:s21], $0x1  }
0xa0: {  	[sflag:s21] =	ssyncset.done $0x0  }
0xa1: {  	s23 =	simm.s32 $0x1B8E;
	s22 =	sld [smem:$0x3FFE];
	[sflag:s21] =	ssyncadd.s32 $0xFFFFFFFF  }
0xa2: {  	s24 =	simm.s32 $execute0_lowered;
	[smem:$0x3FD2] =	sst s23  }
0xa3: {  	s2 =	sshll.u32 s24, $0x1;
	_ =	strace $0x80000049;
	[dreg:$0x1] =	wrdreg $0xFFFFFFFF  }
0xa4: {  	s25 =	simm.s32 $_size_execute0_lowered;
	s0 =	sadd.s32 s0, s2;
	[dreg:$0x0] =	wrdreg $0x0  }
0xa5: {  	s2 =	sshll.u32 s25, $0x1;
	[dreg:$0x2] =	wrdreg s0  }
0xa6: {  	[dreg:$0x3] =	wrdreg s2  }
0xa7: {  	[dreg:$0x4] =	wrdreg $0xC0  }
0xa8: {  	_ =	task [dreg:s4], $0x5FFFF  }
0xa9: {  	[dreg:$0x1] =	wrdreg $0xFFFFFFFF  }
0xaa: {  	[dreg:$0x0] =	wrdreg $0x60  }
0xab: {  	[dreg:$0x2] =	wrdreg s22  }
0xac: {  	[dreg:$0x3] =	wrdreg $0x9  }
0xad: {  	_ =	task.clear_ibuf [dreg:s4], $0x4FFFF;
	_ =	strace $0x90000049  }
0xae: {  	s26 =	simm.s32 $0x9;
	_ =	strace $0x8000004B  }
0xaf: {  	_ =	swait.ge [sflag:s26], $0x1  }
0xb0: {  	[sflag:s26] =	ssyncadd.s32 $0xFFFFFFFF  }
0xb1: {  	_ =	strace $0x9000004B  }
0xb2: {  	_ =	sfence  }
0xb3: {  	s28 =	sld [smem:$0x0];
	_ =	sdelay $0x1  }
0xb4: {  	s29 =	srdreg.scid  }
0xb5: {  	s30 =	sshll.u32 s29, $0xD;
	s31 =	sshrl.u32 s29, $0x2  }
0xb6: {  	s1 =	sand.u32 $0x1, s29;
	s2 =	sand.u32 $0x4000, s30;
	s0 =	sadd.s32 s31, s28  }
0xb7: {  	s1 =	sor.u32 s2, s1;
	s0 =	sshll.u32 s0, $0x11  }
0xb8: {  	s0 =	sor.u32 s0, s1  }
0xb9: {  	s0 =	sadd.s32 $0x8F2B, s0  }
0xba: {  	[sflag:s0] =	ssyncadd.remote.s32 $0x1  }
0xbb: {  	_ =	sfence.sel $0xFFFF  }
0xbc: {  	[dreg:$0x0] =	wrdreg $0xFFFFFFFF;
	(pc) =	sbr.abs _section_cstart, $3  }
0xbd: {  	[dreg:$0x1] =	wrdreg $0xFFFFFFFF  }
0xbe: {  	_ =	task.clear_ibuf [dreg:s4], $0x2FFFF;
	_ =	strace $0x9FFFFFFF  }
0xbf: {  	(tm) =	ssettm $0x7FFFFFFF  }
tec
execute0_lowered:
.L_overlay_start_1:
0x0: {  	(tag) =	ssettag $0x1  }
0x1: {  	s8 =	rddreg [dreg:$0x0]  }
0x2: {  	s0 =	rddreg [dreg:$0x1];
	_ =	strace $0x8000004A  }
0x3: {  	s4 =	simm.s32 $0x1;
	s1 =	stileid.u32;
	s7 =	simm.s32 $0x1  }
0x4: {  	s9 =	simm.s32 $0x1;
	s6 =	simm.s32 $0x2;
	s10 =	simm.s32 $0x3  }
0x5: {  	s13 =	simm.s32 $0x0;
	s12 =	simm.s32 $0x0;
	s2 =	sadd.s32 $0xF200, s8  }
.Ltmp0:
0x6: {  	s3 =	sadd.s32 $0x19400, s8;
	p0 =	slt.u32 s1, $0xA;
	(pc) =	sbr.rel .LBB2_1-.Ltmp0, $4  }
0x7: {  	[sflag:s4] =	ssyncpa.u1 $0x0;
	s7 =	simm.s32 @!p0 $0x0;
	p0 =	sne.s32 s1, $0x9  }
0x8: {  	s5 =	smul.u32 $0x3390, s1;
	[sflag:s6] =	ssyncpa.u1 $0x0;
	s9 =	simm.s32 @!p0 $0x0  }
0x9: {  	s8 =	sadd.s32 $0x23600, s8;
	[sflag:s10] =	ssyncpa.u1 $0x0;
	s7 =	sadd.s32 s9, s7  }
0xa: {  	vm0 =	vmmov $0xffff;
	s10 =	simm.s32 $0x0;
	s11 =	smov.u32 s5;
	s9 =	sadd.s32 $0x1, s7  }
.LBB2_4:
0xb: {  	v2 =	vnsel vm1, $0x0, v2  }
0xc: {  	vm1 =	vgt.s32 v0, $0x0;
	v2 =	vmin.u32 v2, $0x5090F  }
0xd: {  	v0 =	vnsel vm1, $0x0, v0  }
0xe: {  	v0 =	vmin.u32 v0, $0x5090F  }
0xf: {  	[tilespmem:s18], [sflag:$0x1] =	stream.indirect_vreg.gather [hbm4b:s2+s10], $0x1, v1, vm0, $0x4038;
	[tilespmem:$0xCE40] =	vst v63  }
0x10: {  	(ifvalue) =	ssetifvalue $0x7FFFFFFF  }
0x11: {  	[tilespmem:s15], [sflag:$0x1] =	stream.indirect_vreg.gather [hbm4b:s2+s10], $0x1, v2, vm0, $0x4038;
	[tilespmem:$0xCE40] =	vst v63  }
0x12: {  	s29 =	sadd.s32 $0x10, s15;
	(ifvalue) =	ssetifvalue $0x7FFFFFFF  }
0x13: {  	[tilespmem:s29], [sflag:$0x1] =	stream.indirect_vreg.gather [hbm4b:s2+s10], $0x1, v0, vm0, $0x4038;
	[tilespmem:$0xCE40] =	vst v63  }
0x14: {  	_ =	swait.ge [sflag:s4], $0x3390  }
0x15: {  	s30 =	sshrl.u32 s13, $0x3;
	[sflag:s4] =	ssyncset.done $0x0  }
0x16: {  	s31 =	sand.u32 $0x7, s13;
	s15 =	sadd.s32 s8, s30;
	[sflag:s4] =	ssyncadd.s32 $0xFFFFCC70  }
0x17: {  	[hbm4b:s15+s31] =	stream.linear.scatter [tilespmem:s14], [sflag:$0x3], $0x3390, $0x38;
	[tilespmem:$0xCE40] =	vst v63  }
.LBB2_5:
0x18: {  	s15 =	sadd.s32 $0x33900, s11  }
0x19: {  	p1 =	sgt.s32 s15, $0x5090F  }
0x1a: {  	s15 =	smov.u32 @p1 s5;
	p1 =	sne.s32 s12, s9  }
.Ltmp1:
0x1b: {  	p0 =	slt.u32 s12, $0x2;
	(pc) =	sbr.rel @!p1 .LBB2_6-.Ltmp1, $4  }
0x1c: {  	s14 =	simm.s32 @!p0 $0x3  }
0x1d: {  	_ =	swait.ge @!p0 [sflag:s14], $0x3390  }
0x1e: {  	s16 =	sadd.s32 $0x1, s12;
	s13 =	smov.u32 s11;
	[sflag:s14] =	ssyncset.done @!p0 $0x0  }
0x1f: {  	s12 =	smov.u32 s16;
	s11 =	smov.u32 s15;
	[sflag:s14] =	ssyncadd.s32 @!p0 $0xFFFFCC70  }
.LBB2_1:
0x20: {  	p0 =	sge.u32 s12, s7  }
0x21: {  	s14 =	sxor.u32 @!p0 $0x1, s12  }
0x22: {  	s14 =	smul.u32 @!p0 $0xCE40, s14  }
0x23: {  	s31 =	sadd.s32 $0xFFFFFFFF, s12;
	s15 =	sshrl.u32 @!p0 s11, $0x3  }
0x24: {  	s16 =	sand.u32 @!p0 $0x7, s11;
	s15 =	sadd.s32 @!p0 s3, s15;
	s14 =	sshra.s32 @!p0 s14, $0x2  }
0x25: {  	[tilespmem:s14], [sflag:$0x2] =	stream.linear.gather @!p0 [hbm4b:s15+s16], $0x3390, $0x38;
	[tilespmem:$0xCE40] =	vst v63  }
0x26: {  	p0 =	sge.u32 s31, s7  }
.Ltmp2:
0x27: {  	_ = 	snop;
	(pc) =	sbr.rel @p0 .LBB2_5-.Ltmp2, $1  }
0x28: {  	_ =	sdelay $0x3  }
0x29: {  	s14 =	sand.u32 $0x1, s12  }
0x2a: {  	_ =	swait.ge [sflag:s6], $0x3390;
	p0 =	seq.s32 s14, $0x1;
	s14 =	simm.s32 $0x3390  }
0x2b: {  	[sflag:s6] =	ssyncset.done $0x0;
	s14 =	simm.s32 @!p0 $0x0  }
0x2c: {  	[sflag:s6] =	ssyncadd.s32 $0xFFFFCC70;
	(ifvalue) =	ssetifvalue $0x7FFFFFFF;
	v0 =	vld.msk [tilespmem:s14+$0x0 ss:$0x1], $0xffff;
	_ =	sdelay $0x4  }
0x2d: {  	s15 =	sadd.s32 $0x10, s14;
	vm1 =	vgt.s32 v0, $0x0  }
0x2e: {  	v2 =	vld.msk [tilespmem:s15+$0x0 ss:$0x1], $0xffff;
	v1 =	vnsel vm1, $0x0, v0  }
0x2f: {  	v1 =	vmin.u32 v1, $0x5090F;
	_ =	sdelay $0x2  }
0x30: {  	s17 =	simm.s32 $0x20;
	s14 =	sadd.s32 $0x6720, s14;
	s16 =	sadd.s32 $0x10, s15  }
0x31: {  	s15 =	sadd.s32 $0x10, s14;
	s18 =	smov.u32 s14;
	v0 =	vld.msk [tilespmem:s16+$0x0 ss:$0x1], $0xffff;
	vm1 =	vgt.s32 v2, $0x0;
	(ifvalue) =	ssetifvalue $0x7FFFFFFF  }
.LBB2_3:
0x32: {  	[tilespmem:s18], [sflag:$0x1] =	stream.indirect_vreg.gather [hbm4b:s2+s10], $0x1, v1, vm0, $0x4038;
	[tilespmem:$0xCE40] =	vst v63  }
0x33: {  	s17 =	sadd.s32 $0x10, s17  }
0x34: {  	v2 =	vnsel vm1, $0x0, v2;
	p0 =	slt.u32 s17, $0x3380  }
.Ltmp3:
0x35: {  	s18 =	smov.u32 s15;
	v1 =	vmin.u32 v2, $0x5090F;
	(pc) =	sbr.rel @p0 .LBB2_3-.Ltmp3, $3  }
0x36: {  	_ =	sdelay $0x1  }
0x37: {  	s16 =	sadd.s32 $0x10, s16  }
0x38: {  	vm1 =	vgt.s32 v0, $0x0;
	s15 =	sadd.s32 $0x10, s15;
	v2 =	vmov v0;
	(ifvalue) =	ssetifvalue $0x7FFFFFFF;
	v0 =	vld.msk [tilespmem:s16+$0x0 ss:$0x1], $0xffff  }
.Ltmp4:
0x39: {  	_ = 	snop;
	(pc) =	sbr.rel .LBB2_4-.Ltmp4, $1  }
0x3a: {  	_ =	sdelay $0x3  }
.LBB2_6:
0x3b: {  	_ =	sfence.sel $0x180000  }
0x3c: {  	s2 =	simm.s32 $0x2;
	[bflag:$0x0] =	sbarrier.arrive $0xFFFF  }
0x3d: {  	s30 =	simm.s32 $0x3;
	[sflag:s2] =	ssyncpa.u1 $0x1  }
0x3e: {  	s31 =	simm.s32 $0x1;
	[sflag:s30] =	ssyncpa.u1 $0x1  }
0x3f: {  	[sflag:s31] =	ssyncpa.u1 $0x1  }
0x40: {  	p0 =	sne.s32 s1, $0x0;
	_ =	strace $0x9000004A  }
0x41: {  	s0 =	sadd.s32 @!p0 $0x100000, s0;
	[bflag:$0x2] =	sbarrier.arrive $0xFFFF  }
0x42: {  	[sflag:s0] =	ssyncadd.tile.s32 @!p0 $0x1;
	_ =	shalt  }
.Lfunc_end2:
_tile_overlayer_lowered:
.L_overlay_start_2:
0x43: {  	(tag) =	ssettag $0x2  }
0x44: {  	s0 =	rddreg [dreg:$0x0];
	s2 =	stileid.u32  }
0x45: {  	s1 =	rddreg [dreg:$0x1];
	p0 =	sne.s32 s2, $0x0  }
0x46: {  	s3 =	rddreg [dreg:$0x2];
	[bflag:$0x3] =	sbarrier.arrive $0xFFFF;
	s2 =	simm.s32 @!p0 $0x1C01  }
0x47: {  	[timem:s3], [sflag:s2] =	dma.local @!p0 [hbm:s0], s1  }
0x48: {  	s0 =	simm.s32 @!p0 $0x1  }
0x49: {  	_ =	swait.ge @!p0 [sflag:s0], s1  }
0x4a: {  	s1 =	ssub.s32 @!p0 $0x0, s1;
	[sflag:s0] =	ssyncset.done @!p0 $0x0  }
0x4b: {  	[sflag:s0] =	ssyncadd.s32 @!p0 s1  }
0x4c: {  	[bflag:$0x3] =	sbarrier.arrive $0xFFFF  }
0x4d: {  	_ =	shalt  }

</sc_bundles>
